<compile_context>
chip_gen: v7x
topology: tpu7x:2x2x1
jax: 0.10.2.dev20260603
libtpu: 0.0.44.dev20260713+nightly
codegen_flags: <defaults>
</compile_context>

<pallas_src>
import functools

import jax
import jax.numpy as jnp
from jax import lax
from jax.experimental import pallas as pl
from jax.experimental.pallas import tpu as pltpu
from jax.experimental.pallas import tpu_sc as plsc

H = 256
V = 29
L = 12
LANES = 16

NC, NS = 2, 16
NW = NC * NS
NB = 16384
B_TOTAL = NB * L
B_PER_W = B_TOTAL // NW
CHUNK = 96
N_CHUNKS = B_PER_W // CHUNK
NBUF = 4


def _fuse_body(word_ref, pos_ref, out_ref):
    out_ref[...] = (
        word_ref[...][None, :, None, :] + pos_ref[...][None, None, :, :]
    )


def _build_fused(word_table, pos_table):
    fused = pl.pallas_call(
        _fuse_body,
        grid=(NW,),
        in_specs=[
            pl.BlockSpec((V, H), lambda r: (0, 0)),
            pl.BlockSpec((L, H), lambda r: (0, 0)),
        ],
        out_specs=pl.BlockSpec((1, V, L, H), lambda r: (r, 0, 0, 0)),
        out_shape=jax.ShapeDtypeStruct((NW, V, L, H), jnp.float32),
    )(word_table, pos_table)
    return fused.reshape(NW * V * L, H)


_sc_mesh = plsc.VectorSubcoreMesh(core_axis_name="c", subcore_axis_name="s")


@functools.partial(
    pl.kernel,
    out_type=jax.ShapeDtypeStruct((B_TOTAL, H), jnp.float32),
    mesh=_sc_mesh,
    scratch_types=[
        pltpu.VMEM((B_PER_W,), jnp.int32),
        [pltpu.VMEM((CHUNK, H), jnp.float32) for _ in range(NBUF)],
        [pltpu.SemaphoreType.DMA for _ in range(NBUF)],
        [pltpu.SemaphoreType.DMA for _ in range(NBUF)],
    ],
)
def _sc_lookup(x_hbm, fused_hbm, out_hbm, idx_v, bufs, gsems, ssems):
    wid = lax.axis_index("s") * NC + lax.axis_index("c")
    base = wid * B_PER_W
    tab = wid * (V * L)

    pltpu.sync_copy(x_hbm.at[pl.ds(base, B_PER_W)], idx_v)

    def idx_body(j, carry):
        off = j * LANES
        x = idx_v[pl.ds(off, LANES)]
        pos = (base + off) // NB
        idx_v[pl.ds(off, LANES)] = x * L + (tab + pos)
        return carry

    lax.fori_loop(0, B_PER_W // LANES, idx_body, 0)

    def gather_start(g, b):
        pltpu.async_copy(
            fused_hbm.at[idx_v.at[pl.ds(g * CHUNK, CHUNK)]], bufs[b], gsems[b]
        )

    def gather_wait(b):
        pltpu.make_async_copy(out_hbm.at[pl.ds(0, CHUNK)], bufs[b], gsems[b]).wait()

    def scatter_start(g, b):
        pltpu.async_copy(bufs[b], out_hbm.at[pl.ds(base + g * CHUNK, CHUNK)], ssems[b])

    def scatter_wait(g, b):
        pltpu.make_async_copy(
            bufs[b], out_hbm.at[pl.ds(base + g * CHUNK, CHUNK)], ssems[b]
        ).wait()

    for b in range(NBUF):
        gather_start(b, b)

    def chunk_body(t, carry):
        g0 = t * NBUF
        for b in range(NBUF):
            gather_wait(b)
            scatter_start(g0 + b, b)
        for b in range(NBUF):
            scatter_wait(g0 + b, b)
            gather_start(g0 + NBUF + b, b)
        return carry

    lax.fori_loop(0, N_CHUNKS // NBUF - 1, chunk_body, 0)

    g0 = N_CHUNKS - NBUF
    for b in range(NBUF):
        gather_wait(b)
        scatter_start(g0 + b, b)
    for b in range(NBUF):
        scatter_wait(g0 + b, b)


def kernel(X, word_table, pos_table):
    fused = _build_fused(word_table, pos_table)
    xt_flat = X.T.reshape(-1).astype(jnp.int32)
    out = _sc_lookup(xt_flat, fused)
    return out.reshape(L, NB, H).transpose(1, 0, 2)

# --- scband reference (transcript-rebuilt; emitter-appended) ---
"""Pipeline reference for scband-ebd-83777632076165 (READ-ONLY COPY).

The authoritative reference and input builder live on the scoring server;
editing this copy changes nothing except your own understanding.
"""

import jax, jax.numpy as jnp
import numpy as np

NUM_HIDDENS = 256
VOCAB = 29
MAX_POS = 12


def setup_inputs(seed: int = 0) -> dict:
    key = jax.random.key(seed)
    k1, k2, k3 = jax.random.split(key, 3)
    X = jax.random.randint(k1, (16384, 12), 0, VOCAB, dtype=jnp.int64 if jax.config.jax_enable_x64 else jnp.int32)
    word_table = jax.random.normal(k2, (VOCAB, NUM_HIDDENS), dtype=jnp.float32)
    pos_table = jax.random.normal(k3, (MAX_POS, NUM_HIDDENS), dtype=jnp.float32)
    return {"X": X, "word_table": word_table, "pos_table": pos_table}


def reference(X, word_table, pos_table):
    # word embedding lookup: gather rows of word_table
    word_emb = jnp.take(word_table, X, axis=0)  # [B, L, H]
    L = X.shape[-1]
    pos_idx = jnp.arange(MAX_POS)[:L]  # pos_t[:, :L]
    pos_emb = jnp.take(pos_table, pos_idx, axis=0)[None, :, :]  # [1, L, H]
    return word_emb + pos_emb

if __name__ == "__main__":
    import jax
    _d = setup_inputs()
    print(jax.jit(kernel)(*tuple(_d.values())))

</pallas_src>

<mosaic_0001>
#map = affine_map<(d0, d1) -> (0)>
#map1 = affine_map<(d0, d1) -> (0, 0)>
module attributes {stable_mosaic.version = 14 : i64} {
  func.func @_sc_lookup(%arg0: i32, %arg1: i32, %arg2: memref<196608xi32, #tpu.memory_space<hbm>>, %arg3: memref<11136x256xf32, #tpu.memory_space<hbm>>, %arg4: memref<196608x256xf32, #tpu.memory_space<hbm>>, %arg5: memref<6144xi32, #tpu.memory_space<vmem>>, %arg6: memref<96x256xf32, #tpu.memory_space<vmem>>, %arg7: memref<96x256xf32, #tpu.memory_space<vmem>>, %arg8: memref<96x256xf32, #tpu.memory_space<vmem>>, %arg9: memref<96x256xf32, #tpu.memory_space<vmem>>, %arg10: memref<!tpu.dma_semaphore, #tpu.memory_space<semaphore_mem>>, %arg11: memref<!tpu.dma_semaphore, #tpu.memory_space<semaphore_mem>>, %arg12: memref<!tpu.dma_semaphore, #tpu.memory_space<semaphore_mem>>, %arg13: memref<!tpu.dma_semaphore, #tpu.memory_space<semaphore_mem>>, %arg14: memref<!tpu.dma_semaphore, #tpu.memory_space<semaphore_mem>>, %arg15: memref<!tpu.dma_semaphore, #tpu.memory_space<semaphore_mem>>, %arg16: memref<!tpu.dma_semaphore, #tpu.memory_space<semaphore_mem>>, %arg17: memref<!tpu.dma_semaphore, #tpu.memory_space<semaphore_mem>>) attributes {dimension_semantics = [#tpu.dimension_semantics<core_parallel>, #tpu.dimension_semantics<subcore_parallel>], iteration_bounds = array<i64: 2, 16>, scalar_prefetch = 0 : i64, scratch_operands = 13 : i64, tpu.core_type = #tpu.core_type<sc_vector_subcore>, window_params = [{transform_indices = #map}, {transform_indices = #map1}, {transform_indices = #map1}]} {
    %mul3A = arith.constant 2 : i32
    %mul3A_0 = arith.muli %arg1, %mul3A : i32
    %add3A = arith.addi %mul3A_0, %arg0 : i32
    %mul3A_1 = arith.constant 6144 : i32
    %mul3A_2 = arith.muli %add3A, %mul3A_1 : i32
    %mul3A_3 = arith.constant 348 : i32
    %mul3A_4 = arith.muli %add3A, %mul3A_3 : i32
    "tpu.region"() ({
      %run_scoped3A = tpu.sem_alloc : memref<!tpu.dma_semaphore, #tpu.memory_space<semaphore_mem>>
      %dma_start3A_106 = tpu.memref_slice %arg2[%mul3A_2] : memref<196608xi32, #tpu.memory_space<hbm>> -> memref<6144xi32, #tpu.memory_space<hbm>>
      %dma_start3A_107 = tpu.memref_slice %arg2[%mul3A_2] : memref<196608xi32, #tpu.memory_space<hbm>> -> memref<6144xi32, #tpu.memory_space<hbm>>
      tpu.enqueue_dma source(%dma_start3A_107 : memref<6144xi32, #tpu.memory_space<hbm>>) target(%arg5 : memref<6144xi32, #tpu.memory_space<vmem>>) target_semaphore(%run_scoped3A : memref<!tpu.dma_semaphore, #tpu.memory_space<semaphore_mem>>)
      %dma_wait3A_108 = tpu.memref_slice %arg2[%mul3A_2] : memref<196608xi32, #tpu.memory_space<hbm>> -> memref<6144xi32, #tpu.memory_space<hbm>>
      %dma_wait3A_109 = tpu.memref_slice %arg2[%mul3A_2] : memref<196608xi32, #tpu.memory_space<hbm>> -> memref<6144xi32, #tpu.memory_space<hbm>>
      tpu.wait_dma2 semaphore(%run_scoped3A : memref<!tpu.dma_semaphore, #tpu.memory_space<semaphore_mem>>) src(%dma_wait3A_109 : memref<6144xi32, #tpu.memory_space<hbm>>) dst(%arg5 : memref<6144xi32, #tpu.memory_space<vmem>>)
      tpu.yield
    }) : () -> ()
    %scan3A = arith.constant 0 : i32
    %scan3A_5 = arith.constant 0 : i32
    %scan3A_6 = arith.constant 384 : i32
    %scan3A_7 = arith.addi %scan3A_5, %scan3A_6 : i32
    %scan3A_8 = arith.constant 1 : i32
    scf.for %scan3A_106 = %scan3A_5 to %scan3A_7 step %scan3A_8  : i32 {
      %mul3A_107 = arith.constant 16 : i32
      %mul3A_108 = arith.muli %scan3A_106, %mul3A_107 : i32
      %get3A = arith.index_cast %mul3A_108 : i32 to index
      %get3A_109 = tpu.vector_load %arg5[%get3A] {strides = array<i32>} : memref<6144xi32, #tpu.memory_space<vmem>>, vector<16xi32>,
      %get3A_110 = vector.shape_cast %get3A_109 : vector<16xi32> to vector<16xi32>
      %add3A_111 = arith.addi %mul3A_2, %mul3A_108 : i32
      %jit3A = arith.constant 16384 : i32
      %div3A = arith.divsi %add3A_111, %jit3A : i32
      %sign3A = arith.constant 0 : i32
      %sign3A_112 = arith.cmpi sgt, %add3A_111, %sign3A : i32
      %sign3A_113 = arith.extui %sign3A_112 : i1 to i32
      %sign3A_114 = arith.constant 0 : i32
      %sign3A_115 = arith.cmpi slt, %add3A_111, %sign3A_114 : i32
      %sign3A_116 = arith.extui %sign3A_115 : i1 to i32
      %sign3A_117 = arith.subi %sign3A_113, %sign3A_116 : i32
      %sign3A_118 = arith.constant 0 : i32
      %sign3A_119 = arith.cmpi sgt, %jit3A, %sign3A_118 : i32
      %sign3A_120 = arith.extui %sign3A_119 : i1 to i32
      %sign3A_121 = arith.constant 0 : i32
      %sign3A_122 = arith.cmpi slt, %jit3A, %sign3A_121 : i32
      %sign3A_123 = arith.extui %sign3A_122 : i1 to i32
      %sign3A_124 = arith.subi %sign3A_120, %sign3A_123 : i32
      %ne3A = arith.cmpi ne, %sign3A_117, %sign3A_124 : i32
      %rem3A = arith.remsi %add3A_111, %jit3A : i32
      %ne3A_125 = arith.constant 0 : i32
      %ne3A_126 = arith.cmpi ne, %rem3A, %ne3A_125 : i32
      %and3A = arith.andi %ne3A, %ne3A_126 : i1
      %sub3A = arith.constant 1 : i32
      %sub3A_127 = arith.subi %div3A, %sub3A : i32
      %select_n3A = arith.select %and3A, %sub3A_127, %div3A : i32
      %mul3A_128 = arith.constant 12 : i32
      %mul3A_129 = vector.broadcast %mul3A_128 : i32 to vector<16xi32>
      %mul3A_130 = arith.muli %get3A_110, %mul3A_129 : vector<16xi32>
      %add3A_131 = arith.addi %mul3A_4, %select_n3A : i32
      %add3A_132 = vector.broadcast %add3A_131 : i32 to vector<16xi32>
      %add3A_133 = arith.addi %mul3A_130, %add3A_132 : vector<16xi32>
      %swap3A = arith.index_cast %mul3A_108 : i32 to index
      %swap3A_134 = tpu.vector_load %arg5[%swap3A] {strides = array<i32>} : memref<6144xi32, #tpu.memory_space<vmem>>, vector<16xi32>,
      %swap3A_135 = vector.shape_cast %swap3A_134 : vector<16xi32> to vector<16xi32>
      %swap3A_136 = vector.shape_cast %add3A_133 : vector<16xi32> to vector<16xi32>
      tpu.vector_store %arg5[%swap3A], %swap3A_136 {strides = array<i32>} : memref<6144xi32, #tpu.memory_space<vmem>>, vector<16xi32>,
    }
    %scan3A_9 = arith.constant 384 : i32
    %dma_start3A = arith.constant 0 : i32
    %dma_start3A_10 = tpu.memref_slice %arg5[%dma_start3A] : memref<6144xi32, #tpu.memory_space<vmem>> -> memref<96xi32, #tpu.memory_space<vmem>>
    %dma_start3A_11 = arith.constant 0 : i32
    %dma_start3A_12 = arith.constant 0 : i32
    %dma_start3A_13 = tpu.memref_slice %arg3[%dma_start3A_11, %dma_start3A_12] : memref<11136x256xf32, #tpu.memory_space<hbm>> -> memref<11136x256xf32, #tpu.memory_space<hbm>>
    tpu.enqueue_indirect_dma source(%dma_start3A_13 : memref<11136x256xf32, #tpu.memory_space<hbm>>) target(%arg6 : memref<96x256xf32, #tpu.memory_space<vmem>>) offsets(%dma_start3A_10 : memref<96xi32, #tpu.memory_space<vmem>>) semaphore(%arg10 : memref<!tpu.dma_semaphore, #tpu.memory_space<semaphore_mem>>)
    %dma_start3A_14 = arith.constant 96 : i32
    %dma_start3A_15 = tpu.memref_slice %arg5[%dma_start3A_14] : memref<6144xi32, #tpu.memory_space<vmem>> -> memref<96xi32, #tpu.memory_space<vmem>>
    %dma_start3A_16 = arith.constant 0 : i32
    %dma_start3A_17 = arith.constant 0 : i32
    %dma_start3A_18 = tpu.memref_slice %arg3[%dma_start3A_16, %dma_start3A_17] : memref<11136x256xf32, #tpu.memory_space<hbm>> -> memref<11136x256xf32, #tpu.memory_space<hbm>>
    tpu.enqueue_indirect_dma source(%dma_start3A_18 : memref<11136x256xf32, #tpu.memory_space<hbm>>) target(%arg7 : memref<96x256xf32, #tpu.memory_space<vmem>>) offsets(%dma_start3A_15 : memref<96xi32, #tpu.memory_space<vmem>>) semaphore(%arg11 : memref<!tpu.dma_semaphore, #tpu.memory_space<semaphore_mem>>)
    %dma_start3A_19 = arith.constant 192 : i32
    %dma_start3A_20 = tpu.memref_slice %arg5[%dma_start3A_19] : memref<6144xi32, #tpu.memory_space<vmem>> -> memref<96xi32, #tpu.memory_space<vmem>>
    %dma_start3A_21 = arith.constant 0 : i32
    %dma_start3A_22 = arith.constant 0 : i32
    %dma_start3A_23 = tpu.memref_slice %arg3[%dma_start3A_21, %dma_start3A_22] : memref<11136x256xf32, #tpu.memory_space<hbm>> -> memref<11136x256xf32, #tpu.memory_space<hbm>>
    tpu.enqueue_indirect_dma source(%dma_start3A_23 : memref<11136x256xf32, #tpu.memory_space<hbm>>) target(%arg8 : memref<96x256xf32, #tpu.memory_space<vmem>>) offsets(%dma_start3A_20 : memref<96xi32, #tpu.memory_space<vmem>>) semaphore(%arg12 : memref<!tpu.dma_semaphore, #tpu.memory_space<semaphore_mem>>)
    %dma_start3A_24 = arith.constant 288 : i32
    %dma_start3A_25 = tpu.memref_slice %arg5[%dma_start3A_24] : memref<6144xi32, #tpu.memory_space<vmem>> -> memref<96xi32, #tpu.memory_space<vmem>>
    %dma_start3A_26 = arith.constant 0 : i32
    %dma_start3A_27 = arith.constant 0 : i32
    %dma_start3A_28 = tpu.memref_slice %arg3[%dma_start3A_26, %dma_start3A_27] : memref<11136x256xf32, #tpu.memory_space<hbm>> -> memref<11136x256xf32, #tpu.memory_space<hbm>>
    tpu.enqueue_indirect_dma source(%dma_start3A_28 : memref<11136x256xf32, #tpu.memory_space<hbm>>) target(%arg9 : memref<96x256xf32, #tpu.memory_space<vmem>>) offsets(%dma_start3A_25 : memref<96xi32, #tpu.memory_space<vmem>>) semaphore(%arg13 : memref<!tpu.dma_semaphore, #tpu.memory_space<semaphore_mem>>)
    %scan3A_29 = arith.constant 0 : i32
    %scan3A_30 = arith.constant 0 : i32
    %scan3A_31 = arith.constant 15 : i32
    %scan3A_32 = arith.addi %scan3A_30, %scan3A_31 : i32
    %scan3A_33 = arith.constant 1 : i32
    scf.for %scan3A_106 = %scan3A_30 to %scan3A_32 step %scan3A_33  : i32 {
      %mul3A_107 = arith.constant 4 : i32
      %mul3A_108 = arith.muli %scan3A_106, %mul3A_107 : i32
      %dma_wait3A_109 = arith.constant 0 : i32
      %dma_wait3A_110 = arith.constant 0 : i32
      %dma_wait3A_111 = tpu.memref_slice %arg4[%dma_wait3A_109, %dma_wait3A_110] : memref<196608x256xf32, #tpu.memory_space<hbm>> -> memref<96x256xf32, #tpu.memory_space<hbm>>
      %dma_wait3A_112 = arith.constant 0 : i32
      %dma_wait3A_113 = arith.constant 0 : i32
      %dma_wait3A_114 = tpu.memref_slice %arg4[%dma_wait3A_112, %dma_wait3A_113] : memref<196608x256xf32, #tpu.memory_space<hbm>> -> memref<96x256xf32, #tpu.memory_space<hbm>>
      tpu.wait_dma2 semaphore(%arg10 : memref<!tpu.dma_semaphore, #tpu.memory_space<semaphore_mem>>) src(%dma_wait3A_114 : memref<96x256xf32, #tpu.memory_space<hbm>>) dst(%arg6 : memref<96x256xf32, #tpu.memory_space<vmem>>)
      %add3A_115 = arith.constant 0 : i32
      %add3A_116 = arith.addi %mul3A_108, %add3A_115 : i32
      %mul3A_117 = arith.constant 96 : i32
      %mul3A_118 = arith.muli %add3A_116, %mul3A_117 : i32
      %add3A_119 = arith.addi %mul3A_2, %mul3A_118 : i32
      %dma_start3A_120 = arith.constant 0 : i32
      %dma_start3A_121 = tpu.memref_slice %arg4[%add3A_119, %dma_start3A_120] : memref<196608x256xf32, #tpu.memory_space<hbm>> -> memref<96x256xf32, #tpu.memory_space<hbm>>
      %dma_start3A_122 = arith.constant 0 : i32
      %dma_start3A_123 = tpu.memref_slice %arg4[%add3A_119, %dma_start3A_122] : memref<196608x256xf32, #tpu.memory_space<hbm>> -> memref<96x256xf32, #tpu.memory_space<hbm>>
      tpu.enqueue_dma source(%arg6 : memref<96x256xf32, #tpu.memory_space<vmem>>) target(%dma_start3A_123 : memref<96x256xf32, #tpu.memory_space<hbm>>) target_semaphore(%arg14 : memref<!tpu.dma_semaphore, #tpu.memory_space<semaphore_mem>>)
      %dma_wait3A_124 = arith.constant 0 : i32
      %dma_wait3A_125 = arith.constant 0 : i32
      %dma_wait3A_126 = tpu.memref_slice %arg4[%dma_wait3A_124, %dma_wait3A_125] : memref<196608x256xf32, #tpu.memory_space<hbm>> -> memref<96x256xf32, #tpu.memory_space<hbm>>
      %dma_wait3A_127 = arith.constant 0 : i32
      %dma_wait3A_128 = arith.constant 0 : i32
      %dma_wait3A_129 = tpu.memref_slice %arg4[%dma_wait3A_127, %dma_wait3A_128] : memref<196608x256xf32, #tpu.memory_space<hbm>> -> memref<96x256xf32, #tpu.memory_space<hbm>>
      tpu.wait_dma2 semaphore(%arg11 : memref<!tpu.dma_semaphore, #tpu.memory_space<semaphore_mem>>) src(%dma_wait3A_129 : memref<96x256xf32, #tpu.memory_space<hbm>>) dst(%arg7 : memref<96x256xf32, #tpu.memory_space<vmem>>)
      %add3A_130 = arith.constant 1 : i32
      %add3A_131 = arith.addi %mul3A_108, %add3A_130 : i32
      %mul3A_132 = arith.constant 96 : i32
      %mul3A_133 = arith.muli %add3A_131, %mul3A_132 : i32
      %add3A_134 = arith.addi %mul3A_2, %mul3A_133 : i32
      %dma_start3A_135 = arith.constant 0 : i32
      %dma_start3A_136 = tpu.memref_slice %arg4[%add3A_134, %dma_start3A_135] : memref<196608x256xf32, #tpu.memory_space<hbm>> -> memref<96x256xf32, #tpu.memory_space<hbm>>
      %dma_start3A_137 = arith.constant 0 : i32
      %dma_start3A_138 = tpu.memref_slice %arg4[%add3A_134, %dma_start3A_137] : memref<196608x256xf32, #tpu.memory_space<hbm>> -> memref<96x256xf32, #tpu.memory_space<hbm>>
      tpu.enqueue_dma source(%arg7 : memref<96x256xf32, #tpu.memory_space<vmem>>) target(%dma_start3A_138 : memref<96x256xf32, #tpu.memory_space<hbm>>) target_semaphore(%arg15 : memref<!tpu.dma_semaphore, #tpu.memory_space<semaphore_mem>>)
      %dma_wait3A_139 = arith.constant 0 : i32
      %dma_wait3A_140 = arith.constant 0 : i32
      %dma_wait3A_141 = tpu.memref_slice %arg4[%dma_wait3A_139, %dma_wait3A_140] : memref<196608x256xf32, #tpu.memory_space<hbm>> -> memref<96x256xf32, #tpu.memory_space<hbm>>
      %dma_wait3A_142 = arith.constant 0 : i32
      %dma_wait3A_143 = arith.constant 0 : i32
      %dma_wait3A_144 = tpu.memref_slice %arg4[%dma_wait3A_142, %dma_wait3A_143] : memref<196608x256xf32, #tpu.memory_space<hbm>> -> memref<96x256xf32, #tpu.memory_space<hbm>>
      tpu.wait_dma2 semaphore(%arg12 : memref<!tpu.dma_semaphore, #tpu.memory_space<semaphore_mem>>) src(%dma_wait3A_144 : memref<96x256xf32, #tpu.memory_space<hbm>>) dst(%arg8 : memref<96x256xf32, #tpu.memory_space<vmem>>)
      %add3A_145 = arith.constant 2 : i32
      %add3A_146 = arith.addi %mul3A_108, %add3A_145 : i32
      %mul3A_147 = arith.constant 96 : i32
      %mul3A_148 = arith.muli %add3A_146, %mul3A_147 : i32
      %add3A_149 = arith.addi %mul3A_2, %mul3A_148 : i32
      %dma_start3A_150 = arith.constant 0 : i32
      %dma_start3A_151 = tpu.memref_slice %arg4[%add3A_149, %dma_start3A_150] : memref<196608x256xf32, #tpu.memory_space<hbm>> -> memref<96x256xf32, #tpu.memory_space<hbm>>
      %dma_start3A_152 = arith.constant 0 : i32
      %dma_start3A_153 = tpu.memref_slice %arg4[%add3A_149, %dma_start3A_152] : memref<196608x256xf32, #tpu.memory_space<hbm>> -> memref<96x256xf32, #tpu.memory_space<hbm>>
      tpu.enqueue_dma source(%arg8 : memref<96x256xf32, #tpu.memory_space<vmem>>) target(%dma_start3A_153 : memref<96x256xf32, #tpu.memory_space<hbm>>) target_semaphore(%arg16 : memref<!tpu.dma_semaphore, #tpu.memory_space<semaphore_mem>>)
      %dma_wait3A_154 = arith.constant 0 : i32
      %dma_wait3A_155 = arith.constant 0 : i32
      %dma_wait3A_156 = tpu.memref_slice %arg4[%dma_wait3A_154, %dma_wait3A_155] : memref<196608x256xf32, #tpu.memory_space<hbm>> -> memref<96x256xf32, #tpu.memory_space<hbm>>
      %dma_wait3A_157 = arith.constant 0 : i32
      %dma_wait3A_158 = arith.constant 0 : i32
      %dma_wait3A_159 = tpu.memref_slice %arg4[%dma_wait3A_157, %dma_wait3A_158] : memref<196608x256xf32, #tpu.memory_space<hbm>> -> memref<96x256xf32, #tpu.memory_space<hbm>>
      tpu.wait_dma2 semaphore(%arg13 : memref<!tpu.dma_semaphore, #tpu.memory_space<semaphore_mem>>) src(%dma_wait3A_159 : memref<96x256xf32, #tpu.memory_space<hbm>>) dst(%arg9 : memref<96x256xf32, #tpu.memory_space<vmem>>)
      %add3A_160 = arith.constant 3 : i32
      %add3A_161 = arith.addi %mul3A_108, %add3A_160 : i32
      %mul3A_162 = arith.constant 96 : i32
      %mul3A_163 = arith.muli %add3A_161, %mul3A_162 : i32
      %add3A_164 = arith.addi %mul3A_2, %mul3A_163 : i32
      %dma_start3A_165 = arith.constant 0 : i32
      %dma_start3A_166 = tpu.memref_slice %arg4[%add3A_164, %dma_start3A_165] : memref<196608x256xf32, #tpu.memory_space<hbm>> -> memref<96x256xf32, #tpu.memory_space<hbm>>
      %dma_start3A_167 = arith.constant 0 : i32
      %dma_start3A_168 = tpu.memref_slice %arg4[%add3A_164, %dma_start3A_167] : memref<196608x256xf32, #tpu.memory_space<hbm>> -> memref<96x256xf32, #tpu.memory_space<hbm>>
      tpu.enqueue_dma source(%arg9 : memref<96x256xf32, #tpu.memory_space<vmem>>) target(%dma_start3A_168 : memref<96x256xf32, #tpu.memory_space<hbm>>) target_semaphore(%arg17 : memref<!tpu.dma_semaphore, #tpu.memory_space<semaphore_mem>>)
      %add3A_169 = arith.constant 0 : i32
      %add3A_170 = arith.addi %mul3A_108, %add3A_169 : i32
      %mul3A_171 = arith.constant 96 : i32
      %mul3A_172 = arith.muli %add3A_170, %mul3A_171 : i32
      %add3A_173 = arith.addi %mul3A_2, %mul3A_172 : i32
      %dma_wait3A_174 = arith.constant 0 : i32
      %dma_wait3A_175 = tpu.memref_slice %arg4[%add3A_173, %dma_wait3A_174] : memref<196608x256xf32, #tpu.memory_space<hbm>> -> memref<96x256xf32, #tpu.memory_space<hbm>>
      %dma_wait3A_176 = arith.constant 0 : i32
      %dma_wait3A_177 = tpu.memref_slice %arg4[%add3A_173, %dma_wait3A_176] : memref<196608x256xf32, #tpu.memory_space<hbm>> -> memref<96x256xf32, #tpu.memory_space<hbm>>
      tpu.wait_dma2 semaphore(%arg14 : memref<!tpu.dma_semaphore, #tpu.memory_space<semaphore_mem>>) src(%arg6 : memref<96x256xf32, #tpu.memory_space<vmem>>) dst(%dma_wait3A_177 : memref<96x256xf32, #tpu.memory_space<hbm>>)
      %add3A_178 = arith.constant 4 : i32
      %add3A_179 = arith.addi %mul3A_108, %add3A_178 : i32
      %add3A_180 = arith.constant 0 : i32
      %add3A_181 = arith.addi %add3A_179, %add3A_180 : i32
      %mul3A_182 = arith.constant 96 : i32
      %mul3A_183 = arith.muli %add3A_181, %mul3A_182 : i32
      %dma_start3A_184 = tpu.memref_slice %arg5[%mul3A_183] : memref<6144xi32, #tpu.memory_space<vmem>> -> memref<96xi32, #tpu.memory_space<vmem>>
      %dma_start3A_185 = arith.constant 0 : i32
      %dma_start3A_186 = arith.constant 0 : i32
      %dma_start3A_187 = tpu.memref_slice %arg3[%dma_start3A_185, %dma_start3A_186] : memref<11136x256xf32, #tpu.memory_space<hbm>> -> memref<11136x256xf32, #tpu.memory_space<hbm>>
      tpu.enqueue_indirect_dma source(%dma_start3A_187 : memref<11136x256xf32, #tpu.memory_space<hbm>>) target(%arg6 : memref<96x256xf32, #tpu.memory_space<vmem>>) offsets(%dma_start3A_184 : memref<96xi32, #tpu.memory_space<vmem>>) semaphore(%arg10 : memref<!tpu.dma_semaphore, #tpu.memory_space<semaphore_mem>>)
      %add3A_188 = arith.constant 1 : i32
      %add3A_189 = arith.addi %mul3A_108, %add3A_188 : i32
      %mul3A_190 = arith.constant 96 : i32
      %mul3A_191 = arith.muli %add3A_189, %mul3A_190 : i32
      %add3A_192 = arith.addi %mul3A_2, %mul3A_191 : i32
      %dma_wait3A_193 = arith.constant 0 : i32
      %dma_wait3A_194 = tpu.memref_slice %arg4[%add3A_192, %dma_wait3A_193] : memref<196608x256xf32, #tpu.memory_space<hbm>> -> memref<96x256xf32, #tpu.memory_space<hbm>>
      %dma_wait3A_195 = arith.constant 0 : i32
      %dma_wait3A_196 = tpu.memref_slice %arg4[%add3A_192, %dma_wait3A_195] : memref<196608x256xf32, #tpu.memory_space<hbm>> -> memref<96x256xf32, #tpu.memory_space<hbm>>
      tpu.wait_dma2 semaphore(%arg15 : memref<!tpu.dma_semaphore, #tpu.memory_space<semaphore_mem>>) src(%arg7 : memref<96x256xf32, #tpu.memory_space<vmem>>) dst(%dma_wait3A_196 : memref<96x256xf32, #tpu.memory_space<hbm>>)
      %add3A_197 = arith.constant 4 : i32
      %add3A_198 = arith.addi %mul3A_108, %add3A_197 : i32
      %add3A_199 = arith.constant 1 : i32
      %add3A_200 = arith.addi %add3A_198, %add3A_199 : i32
      %mul3A_201 = arith.constant 96 : i32
      %mul3A_202 = arith.muli %add3A_200, %mul3A_201 : i32
      %dma_start3A_203 = tpu.memref_slice %arg5[%mul3A_202] : memref<6144xi32, #tpu.memory_space<vmem>> -> memref<96xi32, #tpu.memory_space<vmem>>
      %dma_start3A_204 = arith.constant 0 : i32
      %dma_start3A_205 = arith.constant 0 : i32
      %dma_start3A_206 = tpu.memref_slice %arg3[%dma_start3A_204, %dma_start3A_205] : memref<11136x256xf32, #tpu.memory_space<hbm>> -> memref<11136x256xf32, #tpu.memory_space<hbm>>
      tpu.enqueue_indirect_dma source(%dma_start3A_206 : memref<11136x256xf32, #tpu.memory_space<hbm>>) target(%arg7 : memref<96x256xf32, #tpu.memory_space<vmem>>) offsets(%dma_start3A_203 : memref<96xi32, #tpu.memory_space<vmem>>) semaphore(%arg11 : memref<!tpu.dma_semaphore, #tpu.memory_space<semaphore_mem>>)
      %add3A_207 = arith.constant 2 : i32
      %add3A_208 = arith.addi %mul3A_108, %add3A_207 : i32
      %mul3A_209 = arith.constant 96 : i32
      %mul3A_210 = arith.muli %add3A_208, %mul3A_209 : i32
      %add3A_211 = arith.addi %mul3A_2, %mul3A_210 : i32
      %dma_wait3A_212 = arith.constant 0 : i32
      %dma_wait3A_213 = tpu.memref_slice %arg4[%add3A_211, %dma_wait3A_212] : memref<196608x256xf32, #tpu.memory_space<hbm>> -> memref<96x256xf32, #tpu.memory_space<hbm>>
      %dma_wait3A_214 = arith.constant 0 : i32
      %dma_wait3A_215 = tpu.memref_slice %arg4[%add3A_211, %dma_wait3A_214] : memref<196608x256xf32, #tpu.memory_space<hbm>> -> memref<96x256xf32, #tpu.memory_space<hbm>>
      tpu.wait_dma2 semaphore(%arg16 : memref<!tpu.dma_semaphore, #tpu.memory_space<semaphore_mem>>) src(%arg8 : memref<96x256xf32, #tpu.memory_space<vmem>>) dst(%dma_wait3A_215 : memref<96x256xf32, #tpu.memory_space<hbm>>)
      %add3A_216 = arith.constant 4 : i32
      %add3A_217 = arith.addi %mul3A_108, %add3A_216 : i32
      %add3A_218 = arith.constant 2 : i32
      %add3A_219 = arith.addi %add3A_217, %add3A_218 : i32
      %mul3A_220 = arith.constant 96 : i32
      %mul3A_221 = arith.muli %add3A_219, %mul3A_220 : i32
      %dma_start3A_222 = tpu.memref_slice %arg5[%mul3A_221] : memref<6144xi32, #tpu.memory_space<vmem>> -> memref<96xi32, #tpu.memory_space<vmem>>
      %dma_start3A_223 = arith.constant 0 : i32
      %dma_start3A_224 = arith.constant 0 : i32
      %dma_start3A_225 = tpu.memref_slice %arg3[%dma_start3A_223, %dma_start3A_224] : memref<11136x256xf32, #tpu.memory_space<hbm>> -> memref<11136x256xf32, #tpu.memory_space<hbm>>
      tpu.enqueue_indirect_dma source(%dma_start3A_225 : memref<11136x256xf32, #tpu.memory_space<hbm>>) target(%arg8 : memref<96x256xf32, #tpu.memory_space<vmem>>) offsets(%dma_start3A_222 : memref<96xi32, #tpu.memory_space<vmem>>) semaphore(%arg12 : memref<!tpu.dma_semaphore, #tpu.memory_space<semaphore_mem>>)
      %add3A_226 = arith.constant 3 : i32
      %add3A_227 = arith.addi %mul3A_108, %add3A_226 : i32
      %mul3A_228 = arith.constant 96 : i32
      %mul3A_229 = arith.muli %add3A_227, %mul3A_228 : i32
      %add3A_230 = arith.addi %mul3A_2, %mul3A_229 : i32
      %dma_wait3A_231 = arith.constant 0 : i32
      %dma_wait3A_232 = tpu.memref_slice %arg4[%add3A_230, %dma_wait3A_231] : memref<196608x256xf32, #tpu.memory_space<hbm>> -> memref<96x256xf32, #tpu.memory_space<hbm>>
      %dma_wait3A_233 = arith.constant 0 : i32
      %dma_wait3A_234 = tpu.memref_slice %arg4[%add3A_230, %dma_wait3A_233] : memref<196608x256xf32, #tpu.memory_space<hbm>> -> memref<96x256xf32, #tpu.memory_space<hbm>>
      tpu.wait_dma2 semaphore(%arg17 : memref<!tpu.dma_semaphore, #tpu.memory_space<semaphore_mem>>) src(%arg9 : memref<96x256xf32, #tpu.memory_space<vmem>>) dst(%dma_wait3A_234 : memref<96x256xf32, #tpu.memory_space<hbm>>)
      %add3A_235 = arith.constant 4 : i32
      %add3A_236 = arith.addi %mul3A_108, %add3A_235 : i32
      %add3A_237 = arith.constant 3 : i32
      %add3A_238 = arith.addi %add3A_236, %add3A_237 : i32
      %mul3A_239 = arith.constant 96 : i32
      %mul3A_240 = arith.muli %add3A_238, %mul3A_239 : i32
      %dma_start3A_241 = tpu.memref_slice %arg5[%mul3A_240] : memref<6144xi32, #tpu.memory_space<vmem>> -> memref<96xi32, #tpu.memory_space<vmem>>
      %dma_start3A_242 = arith.constant 0 : i32
      %dma_start3A_243 = arith.constant 0 : i32
      %dma_start3A_244 = tpu.memref_slice %arg3[%dma_start3A_242, %dma_start3A_243] : memref<11136x256xf32, #tpu.memory_space<hbm>> -> memref<11136x256xf32, #tpu.memory_space<hbm>>
      tpu.enqueue_indirect_dma source(%dma_start3A_244 : memref<11136x256xf32, #tpu.memory_space<hbm>>) target(%arg9 : memref<96x256xf32, #tpu.memory_space<vmem>>) offsets(%dma_start3A_241 : memref<96xi32, #tpu.memory_space<vmem>>) semaphore(%arg13 : memref<!tpu.dma_semaphore, #tpu.memory_space<semaphore_mem>>)
    }
    %scan3A_34 = arith.constant 15 : i32
    %dma_wait3A = arith.constant 0 : i32
    %dma_wait3A_35 = arith.constant 0 : i32
    %dma_wait3A_36 = tpu.memref_slice %arg4[%dma_wait3A, %dma_wait3A_35] : memref<196608x256xf32, #tpu.memory_space<hbm>> -> memref<96x256xf32, #tpu.memory_space<hbm>>
    %dma_wait3A_37 = arith.constant 0 : i32
    %dma_wait3A_38 = arith.constant 0 : i32
    %dma_wait3A_39 = tpu.memref_slice %arg4[%dma_wait3A_37, %dma_wait3A_38] : memref<196608x256xf32, #tpu.memory_space<hbm>> -> memref<96x256xf32, #tpu.memory_space<hbm>>
    tpu.wait_dma2 semaphore(%arg10 : memref<!tpu.dma_semaphore, #tpu.memory_space<semaphore_mem>>) src(%dma_wait3A_39 : memref<96x256xf32, #tpu.memory_space<hbm>>) dst(%arg6 : memref<96x256xf32, #tpu.memory_space<vmem>>)
    %add3A_40 = arith.constant 5760 : i32
    %add3A_41 = arith.addi %mul3A_2, %add3A_40 : i32
    %dma_start3A_42 = arith.constant 0 : i32
    %dma_start3A_43 = tpu.memref_slice %arg4[%add3A_41, %dma_start3A_42] : memref<196608x256xf32, #tpu.memory_space<hbm>> -> memref<96x256xf32, #tpu.memory_space<hbm>>
    %dma_start3A_44 = arith.constant 0 : i32
    %dma_start3A_45 = tpu.memref_slice %arg4[%add3A_41, %dma_start3A_44] : memref<196608x256xf32, #tpu.memory_space<hbm>> -> memref<96x256xf32, #tpu.memory_space<hbm>>
    tpu.enqueue_dma source(%arg6 : memref<96x256xf32, #tpu.memory_space<vmem>>) target(%dma_start3A_45 : memref<96x256xf32, #tpu.memory_space<hbm>>) target_semaphore(%arg14 : memref<!tpu.dma_semaphore, #tpu.memory_space<semaphore_mem>>)
    %dma_wait3A_46 = arith.constant 0 : i32
    %dma_wait3A_47 = arith.constant 0 : i32
    %dma_wait3A_48 = tpu.memref_slice %arg4[%dma_wait3A_46, %dma_wait3A_47] : memref<196608x256xf32, #tpu.memory_space<hbm>> -> memref<96x256xf32, #tpu.memory_space<hbm>>
    %dma_wait3A_49 = arith.constant 0 : i32
    %dma_wait3A_50 = arith.constant 0 : i32
    %dma_wait3A_51 = tpu.memref_slice %arg4[%dma_wait3A_49, %dma_wait3A_50] : memref<196608x256xf32, #tpu.memory_space<hbm>> -> memref<96x256xf32, #tpu.memory_space<hbm>>
    tpu.wait_dma2 semaphore(%arg11 : memref<!tpu.dma_semaphore, #tpu.memory_space<semaphore_mem>>) src(%dma_wait3A_51 : memref<96x256xf32, #tpu.memory_space<hbm>>) dst(%arg7 : memref<96x256xf32, #tpu.memory_space<vmem>>)
    %add3A_52 = arith.constant 5856 : i32
    %add3A_53 = arith.addi %mul3A_2, %add3A_52 : i32
    %dma_start3A_54 = arith.constant 0 : i32
    %dma_start3A_55 = tpu.memref_slice %arg4[%add3A_53, %dma_start3A_54] : memref<196608x256xf32, #tpu.memory_space<hbm>> -> memref<96x256xf32, #tpu.memory_space<hbm>>
    %dma_start3A_56 = arith.constant 0 : i32
    %dma_start3A_57 = tpu.memref_slice %arg4[%add3A_53, %dma_start3A_56] : memref<196608x256xf32, #tpu.memory_space<hbm>> -> memref<96x256xf32, #tpu.memory_space<hbm>>
    tpu.enqueue_dma source(%arg7 : memref<96x256xf32, #tpu.memory_space<vmem>>) target(%dma_start3A_57 : memref<96x256xf32, #tpu.memory_space<hbm>>) target_semaphore(%arg15 : memref<!tpu.dma_semaphore, #tpu.memory_space<semaphore_mem>>)
    %dma_wait3A_58 = arith.constant 0 : i32
    %dma_wait3A_59 = arith.constant 0 : i32
    %dma_wait3A_60 = tpu.memref_slice %arg4[%dma_wait3A_58, %dma_wait3A_59] : memref<196608x256xf32, #tpu.memory_space<hbm>> -> memref<96x256xf32, #tpu.memory_space<hbm>>
    %dma_wait3A_61 = arith.constant 0 : i32
    %dma_wait3A_62 = arith.constant 0 : i32
    %dma_wait3A_63 = tpu.memref_slice %arg4[%dma_wait3A_61, %dma_wait3A_62] : memref<196608x256xf32, #tpu.memory_space<hbm>> -> memref<96x256xf32, #tpu.memory_space<hbm>>
    tpu.wait_dma2 semaphore(%arg12 : memref<!tpu.dma_semaphore, #tpu.memory_space<semaphore_mem>>) src(%dma_wait3A_63 : memref<96x256xf32, #tpu.memory_space<hbm>>) dst(%arg8 : memref<96x256xf32, #tpu.memory_space<vmem>>)
    %add3A_64 = arith.constant 5952 : i32
    %add3A_65 = arith.addi %mul3A_2, %add3A_64 : i32
    %dma_start3A_66 = arith.constant 0 : i32
    %dma_start3A_67 = tpu.memref_slice %arg4[%add3A_65, %dma_start3A_66] : memref<196608x256xf32, #tpu.memory_space<hbm>> -> memref<96x256xf32, #tpu.memory_space<hbm>>
    %dma_start3A_68 = arith.constant 0 : i32
    %dma_start3A_69 = tpu.memref_slice %arg4[%add3A_65, %dma_start3A_68] : memref<196608x256xf32, #tpu.memory_space<hbm>> -> memref<96x256xf32, #tpu.memory_space<hbm>>
    tpu.enqueue_dma source(%arg8 : memref<96x256xf32, #tpu.memory_space<vmem>>) target(%dma_start3A_69 : memref<96x256xf32, #tpu.memory_space<hbm>>) target_semaphore(%arg16 : memref<!tpu.dma_semaphore, #tpu.memory_space<semaphore_mem>>)
    %dma_wait3A_70 = arith.constant 0 : i32
    %dma_wait3A_71 = arith.constant 0 : i32
    %dma_wait3A_72 = tpu.memref_slice %arg4[%dma_wait3A_70, %dma_wait3A_71] : memref<196608x256xf32, #tpu.memory_space<hbm>> -> memref<96x256xf32, #tpu.memory_space<hbm>>
    %dma_wait3A_73 = arith.constant 0 : i32
    %dma_wait3A_74 = arith.constant 0 : i32
    %dma_wait3A_75 = tpu.memref_slice %arg4[%dma_wait3A_73, %dma_wait3A_74] : memref<196608x256xf32, #tpu.memory_space<hbm>> -> memref<96x256xf32, #tpu.memory_space<hbm>>
    tpu.wait_dma2 semaphore(%arg13 : memref<!tpu.dma_semaphore, #tpu.memory_space<semaphore_mem>>) src(%dma_wait3A_75 : memref<96x256xf32, #tpu.memory_space<hbm>>) dst(%arg9 : memref<96x256xf32, #tpu.memory_space<vmem>>)
    %add3A_76 = arith.constant 6048 : i32
    %add3A_77 = arith.addi %mul3A_2, %add3A_76 : i32
    %dma_start3A_78 = arith.constant 0 : i32
    %dma_start3A_79 = tpu.memref_slice %arg4[%add3A_77, %dma_start3A_78] : memref<196608x256xf32, #tpu.memory_space<hbm>> -> memref<96x256xf32, #tpu.memory_space<hbm>>
    %dma_start3A_80 = arith.constant 0 : i32
    %dma_start3A_81 = tpu.memref_slice %arg4[%add3A_77, %dma_start3A_80] : memref<196608x256xf32, #tpu.memory_space<hbm>> -> memref<96x256xf32, #tpu.memory_space<hbm>>
    tpu.enqueue_dma source(%arg9 : memref<96x256xf32, #tpu.memory_space<vmem>>) target(%dma_start3A_81 : memref<96x256xf32, #tpu.memory_space<hbm>>) target_semaphore(%arg17 : memref<!tpu.dma_semaphore, #tpu.memory_space<semaphore_mem>>)
    %add3A_82 = arith.constant 5760 : i32
    %add3A_83 = arith.addi %mul3A_2, %add3A_82 : i32
    %dma_wait3A_84 = arith.constant 0 : i32
    %dma_wait3A_85 = tpu.memref_slice %arg4[%add3A_83, %dma_wait3A_84] : memref<196608x256xf32, #tpu.memory_space<hbm>> -> memref<96x256xf32, #tpu.memory_space<hbm>>
    %dma_wait3A_86 = arith.constant 0 : i32
    %dma_wait3A_87 = tpu.memref_slice %arg4[%add3A_83, %dma_wait3A_86] : memref<196608x256xf32, #tpu.memory_space<hbm>> -> memref<96x256xf32, #tpu.memory_space<hbm>>
    tpu.wait_dma2 semaphore(%arg14 : memref<!tpu.dma_semaphore, #tpu.memory_space<semaphore_mem>>) src(%arg6 : memref<96x256xf32, #tpu.memory_space<vmem>>) dst(%dma_wait3A_87 : memref<96x256xf32, #tpu.memory_space<hbm>>)
    %add3A_88 = arith.constant 5856 : i32
    %add3A_89 = arith.addi %mul3A_2, %add3A_88 : i32
    %dma_wait3A_90 = arith.constant 0 : i32
    %dma_wait3A_91 = tpu.memref_slice %arg4[%add3A_89, %dma_wait3A_90] : memref<196608x256xf32, #tpu.memory_space<hbm>> -> memref<96x256xf32, #tpu.memory_space<hbm>>
    %dma_wait3A_92 = arith.constant 0 : i32
    %dma_wait3A_93 = tpu.memref_slice %arg4[%add3A_89, %dma_wait3A_92] : memref<196608x256xf32, #tpu.memory_space<hbm>> -> memref<96x256xf32, #tpu.memory_space<hbm>>
    tpu.wait_dma2 semaphore(%arg15 : memref<!tpu.dma_semaphore, #tpu.memory_space<semaphore_mem>>) src(%arg7 : memref<96x256xf32, #tpu.memory_space<vmem>>) dst(%dma_wait3A_93 : memref<96x256xf32, #tpu.memory_space<hbm>>)
    %add3A_94 = arith.constant 5952 : i32
    %add3A_95 = arith.addi %mul3A_2, %add3A_94 : i32
    %dma_wait3A_96 = arith.constant 0 : i32
    %dma_wait3A_97 = tpu.memref_slice %arg4[%add3A_95, %dma_wait3A_96] : memref<196608x256xf32, #tpu.memory_space<hbm>> -> memref<96x256xf32, #tpu.memory_space<hbm>>
    %dma_wait3A_98 = arith.constant 0 : i32
    %dma_wait3A_99 = tpu.memref_slice %arg4[%add3A_95, %dma_wait3A_98] : memref<196608x256xf32, #tpu.memory_space<hbm>> -> memref<96x256xf32, #tpu.memory_space<hbm>>
    tpu.wait_dma2 semaphore(%arg16 : memref<!tpu.dma_semaphore, #tpu.memory_space<semaphore_mem>>) src(%arg8 : memref<96x256xf32, #tpu.memory_space<vmem>>) dst(%dma_wait3A_99 : memref<96x256xf32, #tpu.memory_space<hbm>>)
    %add3A_100 = arith.constant 6048 : i32
    %add3A_101 = arith.addi %mul3A_2, %add3A_100 : i32
    %dma_wait3A_102 = arith.constant 0 : i32
    %dma_wait3A_103 = tpu.memref_slice %arg4[%add3A_101, %dma_wait3A_102] : memref<196608x256xf32, #tpu.memory_space<hbm>> -> memref<96x256xf32, #tpu.memory_space<hbm>>
    %dma_wait3A_104 = arith.constant 0 : i32
    %dma_wait3A_105 = tpu.memref_slice %arg4[%add3A_101, %dma_wait3A_104] : memref<196608x256xf32, #tpu.memory_space<hbm>> -> memref<96x256xf32, #tpu.memory_space<hbm>>
    tpu.wait_dma2 semaphore(%arg17 : memref<!tpu.dma_semaphore, #tpu.memory_space<semaphore_mem>>) src(%arg9 : memref<96x256xf32, #tpu.memory_space<vmem>>) dst(%dma_wait3A_105 : memref<96x256xf32, #tpu.memory_space<hbm>>)
    return
  }
}

module attributes {stable_mosaic.version = 14 : i64} {
  func.func @_fuse_body(%arg0: i32, %arg1: memref<29x256xf32, #tpu.memory_space<vmem>>, %arg2: memref<12x256xf32, #tpu.memory_space<vmem>>, %arg3: memref<1x29x12x256xf32, #tpu.memory_space<vmem>>) attributes {dimension_semantics = [#tpu.dimension_semantics<arbitrary>], iteration_bounds = array<i64: 32>, scalar_prefetch = 0 : i64, scratch_operands = 0 : i64, tpu.core_type = #tpu.core_type<tc>, window_params = [{pipeline_mode = #tpu.pipeline_mode<synchronous>, transform_indices = @transform_0, window_bounds = array<i64: 29, 256>}, {pipeline_mode = #tpu.pipeline_mode<synchronous>, transform_indices = @transform_1, window_bounds = array<i64: 12, 256>}, {transform_indices = @transform_2, window_bounds = array<i64: 1, 29, 12, 256>}]} {
    %get3A = arith.constant 0 : index
    %get3A_0 = arith.constant 0 : index
    %get3A_1 = vector.load %arg1[%get3A, %get3A_0] : memref<29x256xf32, #tpu.memory_space<vmem>>, vector<29x256xf32>
    %broadcast_in_dim3A = vector.shape_cast %get3A_1 : vector<29x256xf32> to vector<1x29x1x256xf32>
    %get3A_2 = arith.constant 0 : index
    %get3A_3 = arith.constant 0 : index
    %get3A_4 = vector.load %arg2[%get3A_2, %get3A_3] : memref<12x256xf32, #tpu.memory_space<vmem>>, vector<12x256xf32>
    %broadcast_in_dim3A_5 = vector.shape_cast %get3A_4 : vector<12x256xf32> to vector<1x1x12x256xf32>
    %add3A = vector.broadcast %broadcast_in_dim3A : vector<1x29x1x256xf32> to vector<1x29x12x256xf32>
    %add3A_6 = vector.broadcast %broadcast_in_dim3A_5 : vector<1x1x12x256xf32> to vector<1x29x12x256xf32>
    %add3A_7 = arith.addf %add3A, %add3A_6 : vector<1x29x12x256xf32>
    %swap3A = arith.constant 0 : index
    %swap3A_8 = arith.constant 0 : index
    %swap3A_9 = arith.constant 0 : index
    %swap3A_10 = arith.constant 0 : index
    %swap3A_11 = vector.load %arg3[%swap3A, %swap3A_8, %swap3A_9, %swap3A_10] : memref<1x29x12x256xf32, #tpu.memory_space<vmem>>, vector<1x29x12x256xf32>
    tpu.vector_store %arg3[%swap3A, %swap3A_8, %swap3A_9, %swap3A_10], %add3A_7 {strides = array<i32>} : memref<1x29x12x256xf32, #tpu.memory_space<vmem>>, vector<1x29x12x256xf32>,
    return
  }
  func.func @transform_0(%arg0: i32) -> (i32, i32) {
    %c0_i32 = arith.constant 0 : i32
    %c0_i32_0 = arith.constant 0 : i32
    %c0_i32_1 = arith.constant 0 : i32
    return %c0_i32, %c0_i32_0 : i32, i32
  }
  func.func @transform_1(%arg0: i32) -> (i32, i32) {
    %c0_i32 = arith.constant 0 : i32
    %c0_i32_0 = arith.constant 0 : i32
    %c0_i32_1 = arith.constant 0 : i32
    return %c0_i32, %c0_i32_0 : i32, i32
  }
  func.func @transform_2(%arg0: i32) -> (i32, i32, i32, i32) {
    %c0_i32 = arith.constant 0 : i32
    %c0_i32_0 = arith.constant 0 : i32
    %c0_i32_1 = arith.constant 0 : i32
    %c0_i32_2 = arith.constant 0 : i32
    return %arg0, %c0_i32, %c0_i32_0, %c0_i32_1 : i32, i32, i32, i32
  }
}

</mosaic_0001>

<sc_bundles>
// kernel: kernel.4.cloned.1.call-start
scs
__scs_entry_jumppad:
0x0: {  	(pc) =	sbr.rel $0x88, $3  }
0x1: {  	(tag) =	ssettag $0x0;
	lr =	simm.s32 $0x1  }
0x2: {  	[smem:$0x3F9E] =	sst lr;
	_ =	strace $0xD0000000  }
0x3: {  	_ = 	snop  }
0x4: {  	_ = 	snop  }
0x5: {  	_ = 	snop  }
0x6: {  	_ = 	snop  }
0x7: {  	_ = 	snop  }
__scs_overlays_trampoline_lowered:
0x8: {  	[smem:$0x3FAD] =	sst s0  }
0x9: {  	[smem:$0x3FAE] =	sst s1  }
0xa: {  	[smem:$0x3FAF] =	sst s2  }
0xb: {  	[smem:$0x3FB0] =	sst s3  }
0xc: {  	[smem:$0x3FB1] =	sst s4  }
0xd: {  	[smem:$0x3FB2] =	sst s5  }
0xe: {  	[smem:$0x3FB3] =	sst s6  }
0xf: {  	[smem:$0x3FB4] =	sst s7  }
0x10: {  	[smem:$0x3FB5] =	sst s8  }
0x11: {  	[smem:$0x3FB6] =	sst s9;
	s0 =	simm.s32 @!p0 $0x0  }
0x12: {  	s1 =	sld [smem:$0x3F9C];
	s0 =	simm.s32 @p0 $0x1  }
0x13: {  	[smem:$0x3FB7] =	sst s0;
	s0 =	simm.s32 @!p1 $0x0  }
0x14: {  	s2 =	sld [smem:$0x3F9B];
	s0 =	simm.s32 @p1 $0x1  }
0x15: {  	[smem:$0x3FB8] =	sst s0;
	s0 =	simm.s32 @!p2 $0x0  }
0x16: {  	s3 =	sld [smem:$0x3FDB];
	s0 =	simm.s32 @p2 $0x1  }
0x17: {  	s4 =	simm.s32 $0x1BF5;
	[smem:$0x3FBA] =	sst s0  }
0x18: {  	s0 =	sld [smem:$0x3F9D];
	_ =	swait.ge [sflag:s4], $0x0  }
0x19: {  	s7 =	sld [smem:$0x3F9E]  }
0x1a: {  	s8 =	sadd.s32 $0xFFFFE003, lr  }
0x1b: {  	s9 =	sadd.s32 $0xFFFFFEF7, lr;
	s5 =	simm.s32 $0xFFFFFFFF;
	p2 =	slt.u32 s8, $0xFFFFF086  }
0x1c: {  	p1 =	slt.u32 s9, $0xF7A;
	s5 =	simm.s32 @!p2 $0x0  }
0x1d: {  	s5 =	simm.s32 @p1 $0x1;
	p0 =	seq.s32 s7, s2  }
0x1e: {  	s7 =	smul.u32 @!p0 $0xF7A, s2;
	p2 =	seq.s32 @!p0 s5, $0x0  }
0x1f: {  	s9 =	smul.u32 $0xF7A, s1;
	s8 =	simm.s32 @!p0 $0x1BF5;
	p2 =	por !p2, p0  }
0x20: {  	[sflag:s8] =	ssyncset.s32 @!p0 $0xFFFFF086;
	s6 =	sadd.s32 @!p0 s3, s7;
	s7 =	simm.s32 @!p0 $0x108  }
0x21: {  	s3 =	sadd.s32 s3, s9;
	s6 =	sadd.s32 @!p0 $0x88, s6;
	s7 =	simm.s32 @p2 $0x1082  }
0x22: {  	[simem:s7], [sflag:s8] =	dma.local @!p0 [hbm:s6], $0xF7A  }
0x23: {  	s9 =	sor.u32 $0xD0000000, s2;
	s6 =	simm.s32 $0x108;
	_ =	swait.ge @!p0 [sflag:s8], $0x0  }
0x24: {  	s3 =	sadd.s32 $0x88, s3;
	s6 =	simm.s32 @!p1 $0x1082;
	[sflag:s4] =	ssyncset.s32 $0xFFFFF086  }
0x25: {  	[simem:s6], [sflag:s4] =	dma.local [hbm:s3], $0xF7A  }
0x26: {  	[smem:$0x3F9E] =	sst s1;
	(tag) =	ssettag s2;
	_ =	strace s9  }
0x27: {  	s1 =	sld [smem:$0x3FAE]  }
0x28: {  	s2 =	sld [smem:$0x3FAF]  }
0x29: {  	s4 =	sld [smem:$0x3FB1]  }
0x2a: {  	p0 =	seq.s32 s5, $0x0;
	s5 =	sld [smem:$0x3FB2]  }
0x2b: {  	s6 =	sld [smem:$0x3FB3]  }
0x2c: {  	s7 =	sld [smem:$0x3FB4]  }
0x2d: {  	s3 =	simm.s32 $0x108;
	s8 =	sld [smem:$0x3FB5]  }
0x2e: {  	s3 =	simm.s32 @!p0 $0x1082;
	s9 =	sld [smem:$0x3FB6]  }
0x2f: {  	lr =	sadd.s32 s0, s3;
	s0 =	sld [smem:$0x3FAD]  }
0x30: {  	s3 =	sld [smem:$0x3FB0]  }
0x31: {  	[smem:$0x3FB9] =	sst s10  }
0x32: {  	s10 =	sld [smem:$0x3FB7];
	_ =	sdelay $0x3  }
0x33: {  	p0 =	seq.s32 s10, $0x1;
	s10 =	sld [smem:$0x3FB9];
	_ =	sdelay $0x3  }
0x34: {  	[smem:$0x3FB9] =	sst s10  }
0x35: {  	s10 =	sld [smem:$0x3FB8];
	_ =	sdelay $0x3  }
0x36: {  	p1 =	seq.s32 s10, $0x1;
	s10 =	sld [smem:$0x3FB9];
	_ =	sdelay $0x3  }
0x37: {  	[smem:$0x3FB9] =	sst s10  }
0x38: {  	s10 =	sld [smem:$0x3FBA]  }
0x39: {  	_ = 	snop;
	(pc) =	sbr.ind lr, $3  }
0x3a: {  	_ = 	snop  }
0x3b: {  	_ = 	snop  }
0x3c: {  	p2 =	seq.s32 s10, $0x1;
	s10 =	sld [smem:$0x3FB9]  }
0x3d: {  	_ =	shalt  }
0x3e: {  	_ =	shalt  }
0x3f: {  	_ =	shalt  }
0x40: {  	_ =	shalt  }
0x41: {  	_ =	shalt  }
0x42: {  	_ =	shalt  }
0x43: {  	_ =	shalt  }
0x44: {  	_ =	shalt  }
0x45: {  	_ =	shalt  }
0x46: {  	_ =	shalt  }
0x47: {  	_ =	shalt  }
0x48: {  	_ =	shalt  }
0x49: {  	_ =	shalt  }
0x4a: {  	_ =	shalt  }
0x4b: {  	_ =	shalt  }
0x4c: {  	_ =	shalt  }
0x4d: {  	_ =	shalt  }
0x4e: {  	_ =	shalt  }
0x4f: {  	_ =	shalt  }
0x50: {  	_ =	shalt  }
0x51: {  	_ =	shalt  }
0x52: {  	_ =	shalt  }
0x53: {  	_ =	shalt  }
0x54: {  	_ =	shalt  }
0x55: {  	_ =	shalt  }
0x56: {  	_ =	shalt  }
0x57: {  	_ =	shalt  }
0x58: {  	_ =	shalt  }
0x59: {  	_ =	shalt  }
0x5a: {  	_ =	shalt  }
0x5b: {  	_ =	shalt  }
0x5c: {  	_ =	shalt  }
0x5d: {  	_ =	shalt  }
0x5e: {  	_ =	shalt  }
0x5f: {  	_ =	shalt  }
0x60: {  	_ =	shalt  }
0x61: {  	_ =	shalt  }
0x62: {  	_ =	shalt  }
0x63: {  	_ =	shalt  }
0x64: {  	_ =	shalt  }
0x65: {  	_ =	shalt  }
0x66: {  	_ =	shalt  }
0x67: {  	_ =	shalt  }
0x68: {  	_ =	shalt  }
0x69: {  	_ =	shalt  }
0x6a: {  	_ =	shalt  }
0x6b: {  	_ =	shalt  }
0x6c: {  	_ =	shalt  }
0x6d: {  	_ =	shalt  }
0x6e: {  	_ =	shalt  }
0x6f: {  	_ =	shalt  }
0x70: {  	_ =	shalt  }
0x71: {  	_ =	shalt  }
0x72: {  	_ =	shalt  }
0x73: {  	_ =	shalt  }
0x74: {  	_ =	shalt  }
0x75: {  	_ =	shalt  }
0x76: {  	_ =	shalt  }
0x77: {  	_ =	shalt  }
0x78: {  	_ =	shalt  }
0x79: {  	_ =	shalt  }
0x7a: {  	_ =	shalt  }
0x7b: {  	_ =	shalt  }
0x7c: {  	_ =	shalt  }
0x7d: {  	_ =	shalt  }
0x7e: {  	_ =	shalt  }
0x7f: {  	_ =	shalt  }
0x80: {  	_ =	shalt  }
0x81: {  	_ =	shalt  }
0x82: {  	_ =	shalt  }
0x83: {  	_ =	shalt  }
0x84: {  	_ =	shalt  }
0x85: {  	_ =	shalt  }
0x86: {  	_ =	shalt  }
0x87: {  	_ =	shalt  }
.Lfunc_end0:
.L_simem_size_0:
called_computation_lowered:
.L_overlay_start_0:
0x88: {  	s2 =	sld [smem:$0x3FD9]  }
0x89: {  	s3 =	sld [smem:$0x3FFE];
	_ =	sdelay $0x1  }
0x8a: {  	s1 =	srdreg.scid  }
0x8b: {  	s0 =	sand.u32 $0x1, s1  }
0x8c: {  	s17 =	sshll.u32 s0, $0xA;
	s2 =	sadd.s32 s3, s2  }
0x8d: {  	s2 =	sadd.s32 s2, s17  }
0x8e: {  	[smem:$0x3FC5] =	sst s2  }
0x8f: {  	_ = 	snop  }
0x90: {  	s2 =	sld [smem:$0x3FD0];
	(tm) =	ssettm $0x1  }
0x91: {  	s18 =	sld [smem:$0x3FFB];
	_ =	sdelay $0x3  }
0x92: {  	_ =	strace s18  }
0x93: {  	s3 =	sld [smem:$0x3FFC];
	_ =	sdelay $0x3  }
0x94: {  	_ =	strace s3  }
0x95: {  	s3 =	sld [smem:$0x3FFD];
	_ =	sdelay $0x3  }
0x96: {  	_ =	strace s3  }
0x97: {  	_ =	strace $0x8FFFFFFF  }
0x98: {  	s19 =	sld [smem:$0x3FDB];
	_ =	sdelay $0x1  }
0x99: {  	s4 =	simm.s32 $_scs_section_size  }
0x9a: {  	s5 =	simm.s32 $_size__tile_overlayer_lowered;
	s6 =	simm.s32 $_tile_overlayer_lowered  }
0x9b: {  	s22 =	simm.s32 $0x1BFF;
	s21 =	sshll.u32 s6, $0x1;
	s3 =	sadd.s32 s4, s19  }
0x9c: {  	s7 =	simm.s32 $0x0;
	s20 =	sshll.u32 s5, $0x1;
	s5 =	sadd.s32 s21, s3  }
0x9d: {  	[timem:s7], [sflag:s22] =	dma.local [hbm:s5], s20  }
0x9e: {  	_ =	swait.ge [sflag:s22], s20  }
0x9f: {  	s4 =	ssub.s32 $0x0, s20;
	[sflag:s22] =	ssyncset.done $0x0  }
0xa0: {  	[sflag:s22] =	ssyncadd.s32 s4;
	_ =	sdelay $0x1  }
0xa1: {  	s23 =	simm.s32 $0x1B8B  }
0xa2: {  	_ =	swait.ge [sflag:s23], $0x1  }
0xa3: {  	[sflag:s23] =	ssyncset.done $0x0  }
0xa4: {  	s25 =	simm.s32 $0x1B8E;
	s24 =	sld [smem:$0x3FFE];
	[sflag:s23] =	ssyncadd.s32 $0xFFFFFFFF  }
0xa5: {  	s26 =	simm.s32 $execute0_lowered;
	[smem:$0x3FD2] =	sst s25  }
0xa6: {  	s5 =	sshll.u32 s26, $0x1;
	_ =	strace $0x80000046;
	[dreg:$0x1] =	wrdreg $0xFFFFFFFF  }
0xa7: {  	s28 =	simm.s32 $_size_execute0_lowered;
	s3 =	sadd.s32 s3, s5;
	[dreg:$0x0] =	wrdreg $0x0  }
0xa8: {  	s5 =	sshll.u32 s28, $0x1;
	[dreg:$0x2] =	wrdreg s3  }
0xa9: {  	[dreg:$0x3] =	wrdreg s5  }
0xaa: {  	[dreg:$0x4] =	wrdreg $0xC0  }
0xab: {  	_ =	task [dreg:s7], $0x5FFFF  }
0xac: {  	[dreg:$0x1] =	wrdreg $0xFFFFFFFF  }
0xad: {  	[dreg:$0x0] =	wrdreg $0x60  }
0xae: {  	[dreg:$0x2] =	wrdreg s24  }
0xaf: {  	[dreg:$0x3] =	wrdreg s2  }
0xb0: {  	[dreg:$0x4] =	wrdreg $0x9  }
0xb1: {  	_ =	task.clear_ibuf [dreg:s7], $0x5FFFF;
	_ =	strace $0x90000046  }
0xb2: {  	s29 =	simm.s32 $0x9;
	_ =	strace $0x80000048  }
0xb3: {  	_ =	swait.ge [sflag:s29], $0x1  }
0xb4: {  	[sflag:s29] =	ssyncadd.s32 $0xFFFFFFFF  }
0xb5: {  	_ =	strace $0x90000048  }
0xb6: {  	_ =	sfence  }
0xb7: {  	s30 =	sld [smem:$0x0];
	_ =	sdelay $0x2  }
0xb8: {  	s31 =	sshll.u32 s1, $0xD;
	s1 =	sshrl.u32 s1, $0x2  }
0xb9: {  	s3 =	sand.u32 $0x4000, s31;
	s1 =	sadd.s32 s1, s30  }
0xba: {  	s0 =	sor.u32 s3, s0;
	s1 =	sshll.u32 s1, $0x11  }
0xbb: {  	s0 =	sor.u32 s1, s0  }
0xbc: {  	s0 =	sadd.s32 $0x8F2B, s0  }
0xbd: {  	[sflag:s0] =	ssyncadd.remote.s32 $0x1  }
0xbe: {  	_ =	sfence.sel $0xFFFF  }
0xbf: {  	[dreg:$0x0] =	wrdreg $0xFFFFFFFF;
	(pc) =	sbr.abs _section_cstart, $3  }
0xc0: {  	[dreg:$0x1] =	wrdreg $0xFFFFFFFF  }
0xc1: {  	_ =	task.clear_ibuf [dreg:s7], $0x2FFFF;
	_ =	strace $0x9FFFFFFF  }
0xc2: {  	(tm) =	ssettm $0x7FFFFFFF  }
0xc3: {  	_ =	shalt  }
tec
execute0_lowered:
.L_overlay_start_1:
0x0: {  	(tag) =	ssettag $0x1  }
0x1: {  	s0 =	srdreg.scid;
	s1 =	rddreg [dreg:$0x0]  }
0x2: {  	s9 =	stileid.u32;
	s5 =	rddreg [dreg:$0x1]  }
0x3: {  	s13 =	simm.s32 $0x1800;
	s28 =	simm.s32 $0x15800;
	s29 =	simm.s32 $0x16000  }
0x4: {  	s30 =	simm.s32 $0x16800;
	s31 =	simm.s32 $0x17000;
	s12 =	simm.s32 $0x4  }
0x5: {  	s11 =	simm.s32 $0x5;
	s14 =	simm.s32 $0x6;
	s20 =	smul.u32 $0x3000, s9  }
0x6: {  	s15 =	simm.s32 $0x7;
	s0 =	sand.u32 $0x1, s0;
	s22 =	smul.u32 $0x60000, s9  }
0x7: {  	s16 =	simm.s32 $0x8;
	s2 =	sshll.u32 s9, $0x1;
	s25 =	smul.u32 $0x30000, s0  }
0x8: {  	s4 =	sor.u32 s0, s2;
	s7 =	ssub.s32 $0x2, s0;
	s0 =	smul.u32 $0x1800, s0  }
0x9: {  	s9 =	simm.s32 $0xD800;
	s2 =	simm.s32 $0x0;
	s3 =	smul.u32 $0x1800, s4  }
0xa: {  	[smem:$0x7FF] =	sst s2;
	s8 =	smul.u32 $0x180000, s4;
	s18 =	sshrl.u32 s7, $0x1  }
0xb: {  	s4 =	smul.u32 $0x15C, s4;
	_ =	strace $0x80000047;
	s0 =	sadd.s32 s0, s20  }
0xc: {  	s3 =	sshrl.u32 s3, $0x3;
	s19 =	sshrl.u32 s8, $0x3;
	[dreg:$0xa] =	wrdreg s0  }
0xd: {  	s0 =	simm.s32 $0x18000;
	s8 =	simm.s32 $0x2;
	s6 =	sadd.s32 s3, s1  }
0xe: {  	s3 =	sadd.s32 $0x6800, s1;
	s1 =	ssub.s32 s7, s18;
	s21 =	sadd.s32 s5, s19  }
0xf: {  	s5 =	sadd.s32 s22, s5;
	s22 =	simm.s32 $0x13800;
	s6 =	sadd.s32 $0x800, s6  }
0x10: {  	s7 =	simm.s32 $0x1;
	s23 =	sadd.s32 $0x2D000, s21;
	[dreg:$0x4] =	wrdreg s6  }
0x11: {  	s18 =	simm.s32 $0x0;
	s24 =	sadd.s32 $0x2DC00, s21;
	[dreg:$0x5] =	wrdreg s23  }
0x12: {  	s10 =	sadd.s32 $0x2E800, s21;
	s1 =	smax.u32 s1, $0x1;
	[dreg:$0x6] =	wrdreg s24  }
0x13: {  	s26 =	sadd.s32 s25, s5;
	s25 =	simm.s32 $0x7800;
	[dreg:$0x7] =	wrdreg s10  }
0x14: {  	s5 =	simm.s32 $0x18800;
	s6 =	sadd.s32 $0x2F400, s21;
	[dreg:$0x9] =	wrdreg s1  }
0x15: {  	v2 =	vlaneseq.u32;
	[dreg:$0x3] =	wrdreg s26;
	s21 =	simm.s32 $0x13000;
	s23 =	simm.s32 $0x14000  }
0x16: {  	vm0 =	vmmov $0xffff;
	v1 =	vshrl.u32 v2, $0x3;
	s24 =	simm.s32 $0x14800;
	s26 =	simm.s32 $0x15000;
	s1 =	simm.s32 $0x17800  }
0x17: {  	v0 =	vand.u32 $0x7, v2;
	v2 =	vor.u32 $0x8, v2;
	v1 =	vmul.u32 $0x8, v1;
	s10 =	simm.s32 $0x3;
	[dreg:$0x8] =	wrdreg s6;
	s6 =	simm.s32 $0x19000  }
.LBB2_1:
0x18: {  	[dreg:$0xb] =	wrdreg s18  }
0x19: {  	s17 =	rddreg [dreg:$0x4];
	s18 =	simm.s32 $0x9  }
0x1a: {  	[tilespmem:s2], [sflag:$0x9] =	stream.linear.gather [hbm4b:s17+s2], $0x1800, $0x38;
	[tilespmem:$0x19800] =	vst v63  }
0x1b: {  	_ =	swait.ge [sflag:s18], $0x1800  }
0x1c: {  	[sflag:s18] =	ssyncset.done $0x0  }
0x1d: {  	[sflag:s18] =	ssyncadd.s32 $0xFFFFE800;
	s18 =	simm.s32 $0x0  }
0x1e: {  	v3 =	vld [tilespmem:s18+$0x0];
	_ =	sdelay $0x3  }
0x1f: {  	s20 =	rddreg [dreg:$0xa]  }
0x20: {  	s19 =	sshrl.u32 s20, $0xE;
	v3 =	vmul.u32 $0xC, v3  }
0x21: {  	s17 =	sadd.s32 s4, s19  }
0x22: {  	v3 =	vadd.s32 s17, v3  }
0x23: {  	s19 =	simm.s32 $0x80;
	s17 =	simm.s32 $0x10;
	[tilespmem:s18+$0x0] =	vst v3;
	s18 =	smov.u32 s20  }
.LBB2_2:
0x24: {  	p0 =	sne.s32 s19, $0x5FC0;
	v3 =	vld [tilespmem:s17+$0x0];
	_ =	sdelay $0x3  }
.Ltmp0:
0x25: {  	s18 =	sadd.s32 $0x10, s18;
	(pc) =	sbr.rel @p0 .LBB2_2-.Ltmp0, $4  }
0x26: {  	s20 =	sshrl.u32 s18, $0xE;
	v3 =	vmul.u32 $0xC, v3  }
0x27: {  	s20 =	sadd.s32 s4, s20  }
0x28: {  	v3 =	vadd.s32 s20, v3  }
0x29: {  	[tilespmem:s17+$0x0] =	vst v3;
	s17 =	sshra.s32 s19, $0x2;
	s19 =	sadd.s32 $0x40, s19  }
0x2a: {  	v3 =	vld [tilespmem:s17+$0x0];
	_ =	sdelay $0x3  }
0x2b: {  	s18 =	sadd.s32 $0x10, s18  }
0x2c: {  	s18 =	sshrl.u32 s18, $0xE;
	v3 =	vmul.u32 $0xC, v3  }
0x2d: {  	s18 =	sadd.s32 s4, s18  }
0x2e: {  	v3 =	vadd.s32 s18, v3  }
0x2f: {  	[tilespmem:s17+$0x0] =	vst v3  }
0x30: {  	v3 =	vld [tilespmem:$0x0];
	_ =	sdelay $0x4  }
0x31: {  	v4 =	vshll.u32 v3, $0x1  }
0x32: {  	v3 =	vand.u32 $0x7, v3;
	v4 =	vand.u32 $0xFFFFFFF0, v4  }
0x33: {  	v3 =	vor.u32 v3, v4  }
0x34: {  	v4 =	vperm.xlane v3, v0;
	_ =	sdelay $0x1  }
0x35: {  	v3 =	vperm.xlane v3, v2;
	v4 =	vadd.s32 v1, v4;
	_ =	sdelay $0x1  }
0x36: {  	v3 =	vadd.s32 v1, v3;
	_ =	sdelay $0x1  }
0x37: {  	s17 =	simm.s32 $0x0  }
0x38: {  	[tilespmem:s13], [sflag:$0x1] =	stream.indirect_vreg.gather [hbm4b:s3+s17], $0x80, v4, vm0, $0xb8;
	[tilespmem:$0x19800] =	vst v63  }
0x39: {  	s19 =	simm.s32 $0x2000  }
0x3a: {  	[tilespmem:s19], [sflag:$0x1] =	stream.indirect_vreg.gather [hbm4b:s3+s17], $0x80, v3, vm0, $0xb8;
	[tilespmem:$0x19800] =	vst v63  }
0x3b: {  	v3 =	vld [tilespmem:$0x10];
	_ =	sdelay $0x4  }
0x3c: {  	v41 =	vshll.u32 v3, $0x1  }
0x3d: {  	v3 =	vand.u32 $0x7, v3;
	v4 =	vand.u32 $0xFFFFFFF0, v41  }
0x3e: {  	v3 =	vor.u32 v3, v4  }
0x3f: {  	v4 =	vperm.xlane v3, v0;
	_ =	sdelay $0x1  }
0x40: {  	v3 =	vperm.xlane v3, v2;
	v4 =	vadd.s32 v1, v4;
	_ =	sdelay $0x1  }
0x41: {  	v3 =	vadd.s32 v1, v3;
	_ =	sdelay $0x1  }
0x42: {  	s20 =	simm.s32 $0x2800  }
0x43: {  	[tilespmem:s20], [sflag:$0x1] =	stream.indirect_vreg.gather [hbm4b:s3+s17], $0x80, v4, vm0, $0xb8;
	[tilespmem:$0x19800] =	vst v63  }
0x44: {  	s19 =	simm.s32 $0x3000  }
0x45: {  	[tilespmem:s19], [sflag:$0x1] =	stream.indirect_vreg.gather [hbm4b:s3+s17], $0x80, v3, vm0, $0xb8;
	[tilespmem:$0x19800] =	vst v63  }
0x46: {  	v3 =	vld [tilespmem:$0x20];
	_ =	sdelay $0x4  }
0x47: {  	v42 =	vshll.u32 v3, $0x1  }
0x48: {  	v3 =	vand.u32 $0x7, v3;
	v4 =	vand.u32 $0xFFFFFFF0, v42  }
0x49: {  	v3 =	vor.u32 v3, v4  }
0x4a: {  	v4 =	vperm.xlane v3, v0;
	_ =	sdelay $0x1  }
0x4b: {  	v3 =	vperm.xlane v3, v2;
	v4 =	vadd.s32 v1, v4;
	_ =	sdelay $0x1  }
0x4c: {  	v3 =	vadd.s32 v1, v3;
	_ =	sdelay $0x1  }
0x4d: {  	s20 =	simm.s32 $0x3800  }
0x4e: {  	[tilespmem:s20], [sflag:$0x1] =	stream.indirect_vreg.gather [hbm4b:s3+s17], $0x80, v4, vm0, $0xb8;
	[tilespmem:$0x19800] =	vst v63  }
0x4f: {  	s19 =	simm.s32 $0x4000  }
0x50: {  	[tilespmem:s19], [sflag:$0x1] =	stream.indirect_vreg.gather [hbm4b:s3+s17], $0x80, v3, vm0, $0xb8;
	[tilespmem:$0x19800] =	vst v63  }
0x51: {  	v3 =	vld [tilespmem:$0x30];
	_ =	sdelay $0x4  }
0x52: {  	v43 =	vshll.u32 v3, $0x1  }
0x53: {  	v3 =	vand.u32 $0x7, v3;
	v4 =	vand.u32 $0xFFFFFFF0, v43  }
0x54: {  	v3 =	vor.u32 v3, v4  }
0x55: {  	v4 =	vperm.xlane v3, v0;
	_ =	sdelay $0x1  }
0x56: {  	v3 =	vperm.xlane v3, v2;
	v4 =	vadd.s32 v1, v4;
	_ =	sdelay $0x1  }
0x57: {  	v3 =	vadd.s32 v1, v3;
	_ =	sdelay $0x1  }
0x58: {  	s20 =	simm.s32 $0x4800  }
0x59: {  	[tilespmem:s20], [sflag:$0x1] =	stream.indirect_vreg.gather [hbm4b:s3+s17], $0x80, v4, vm0, $0xb8;
	[tilespmem:$0x19800] =	vst v63  }
0x5a: {  	s19 =	simm.s32 $0x5000  }
0x5b: {  	[tilespmem:s19], [sflag:$0x1] =	stream.indirect_vreg.gather [hbm4b:s3+s17], $0x80, v3, vm0, $0xb8;
	[tilespmem:$0x19800] =	vst v63  }
0x5c: {  	v3 =	vld [tilespmem:$0x40];
	_ =	sdelay $0x4  }
0x5d: {  	v44 =	vshll.u32 v3, $0x1  }
0x5e: {  	v3 =	vand.u32 $0x7, v3;
	v4 =	vand.u32 $0xFFFFFFF0, v44  }
0x5f: {  	v3 =	vor.u32 v3, v4  }
0x60: {  	v4 =	vperm.xlane v3, v0;
	_ =	sdelay $0x1  }
0x61: {  	v3 =	vperm.xlane v3, v2;
	v4 =	vadd.s32 v1, v4;
	_ =	sdelay $0x1  }
0x62: {  	v3 =	vadd.s32 v1, v3;
	_ =	sdelay $0x1  }
0x63: {  	s20 =	simm.s32 $0x5800  }
0x64: {  	[tilespmem:s20], [sflag:$0x1] =	stream.indirect_vreg.gather [hbm4b:s3+s17], $0x80, v4, vm0, $0xb8;
	[tilespmem:$0x19800] =	vst v63  }
0x65: {  	s19 =	simm.s32 $0x6000  }
0x66: {  	[tilespmem:s19], [sflag:$0x1] =	stream.indirect_vreg.gather [hbm4b:s3+s17], $0x80, v3, vm0, $0xb8;
	[tilespmem:$0x19800] =	vst v63  }
0x67: {  	v3 =	vld [tilespmem:$0x50];
	_ =	sdelay $0x4  }
0x68: {  	v45 =	vshll.u32 v3, $0x1  }
0x69: {  	v3 =	vand.u32 $0x7, v3;
	v4 =	vand.u32 $0xFFFFFFF0, v45  }
0x6a: {  	v3 =	vor.u32 v3, v4  }
0x6b: {  	v4 =	vperm.xlane v3, v0;
	_ =	sdelay $0x1  }
0x6c: {  	v3 =	vperm.xlane v3, v2;
	v4 =	vadd.s32 v1, v4;
	_ =	sdelay $0x1  }
0x6d: {  	v3 =	vadd.s32 v1, v3;
	_ =	sdelay $0x1  }
0x6e: {  	s20 =	simm.s32 $0x6800  }
0x6f: {  	[tilespmem:s20], [sflag:$0x1] =	stream.indirect_vreg.gather [hbm4b:s3+s17], $0x80, v4, vm0, $0xb8;
	[tilespmem:$0x19800] =	vst v63  }
0x70: {  	s19 =	simm.s32 $0x7000  }
0x71: {  	[tilespmem:s19], [sflag:$0x1] =	stream.indirect_vreg.gather [hbm4b:s3+s17], $0x80, v3, vm0, $0xb8;
	[tilespmem:$0x19800] =	vst v63  }
0x72: {  	v3 =	vld [tilespmem:$0x60];
	_ =	sdelay $0x4  }
0x73: {  	v46 =	vshll.u32 v3, $0x1  }
0x74: {  	v3 =	vand.u32 $0x7, v3;
	v4 =	vand.u32 $0xFFFFFFF0, v46  }
0x75: {  	v3 =	vor.u32 v3, v4  }
0x76: {  	v4 =	vperm.xlane v3, v0;
	_ =	sdelay $0x1  }
0x77: {  	v3 =	vperm.xlane v3, v2;
	v4 =	vadd.s32 v1, v4;
	_ =	sdelay $0x1  }
0x78: {  	v3 =	vadd.s32 v1, v3;
	_ =	sdelay $0x2  }
0x79: {  	[tilespmem:s25], [sflag:$0x2] =	stream.indirect_vreg.gather [hbm4b:s3+s17], $0x80, v4, vm0, $0xb8;
	[tilespmem:$0x19800] =	vst v63  }
0x7a: {  	s20 =	simm.s32 $0x8000  }
0x7b: {  	[tilespmem:s20], [sflag:$0x2] =	stream.indirect_vreg.gather [hbm4b:s3+s17], $0x80, v3, vm0, $0xb8;
	[tilespmem:$0x19800] =	vst v63  }
0x7c: {  	v3 =	vld [tilespmem:$0x70];
	_ =	sdelay $0x4  }
0x7d: {  	v47 =	vshll.u32 v3, $0x1  }
0x7e: {  	v3 =	vand.u32 $0x7, v3;
	v4 =	vand.u32 $0xFFFFFFF0, v47  }
0x7f: {  	v3 =	vor.u32 v3, v4  }
0x80: {  	v4 =	vperm.xlane v3, v0;
	_ =	sdelay $0x1  }
0x81: {  	v3 =	vperm.xlane v3, v2;
	v4 =	vadd.s32 v1, v4;
	_ =	sdelay $0x1  }
0x82: {  	v3 =	vadd.s32 v1, v3;
	_ =	sdelay $0x1  }
0x83: {  	s19 =	simm.s32 $0x8800  }
0x84: {  	[tilespmem:s19], [sflag:$0x2] =	stream.indirect_vreg.gather [hbm4b:s3+s17], $0x80, v4, vm0, $0xb8;
	[tilespmem:$0x19800] =	vst v63  }
0x85: {  	s20 =	simm.s32 $0x9000  }
0x86: {  	[tilespmem:s20], [sflag:$0x2] =	stream.indirect_vreg.gather [hbm4b:s3+s17], $0x80, v3, vm0, $0xb8;
	[tilespmem:$0x19800] =	vst v63  }
0x87: {  	v3 =	vld [tilespmem:$0x80];
	_ =	sdelay $0x4  }
0x88: {  	v48 =	vshll.u32 v3, $0x1  }
0x89: {  	v3 =	vand.u32 $0x7, v3;
	v4 =	vand.u32 $0xFFFFFFF0, v48  }
0x8a: {  	v3 =	vor.u32 v3, v4  }
0x8b: {  	v4 =	vperm.xlane v3, v0;
	_ =	sdelay $0x1  }
0x8c: {  	v3 =	vperm.xlane v3, v2;
	v4 =	vadd.s32 v1, v4;
	_ =	sdelay $0x1  }
0x8d: {  	v3 =	vadd.s32 v1, v3;
	_ =	sdelay $0x1  }
0x8e: {  	s19 =	simm.s32 $0x9800  }
0x8f: {  	[tilespmem:s19], [sflag:$0x2] =	stream.indirect_vreg.gather [hbm4b:s3+s17], $0x80, v4, vm0, $0xb8;
	[tilespmem:$0x19800] =	vst v63  }
0x90: {  	s20 =	simm.s32 $0xA000  }
0x91: {  	[tilespmem:s20], [sflag:$0x2] =	stream.indirect_vreg.gather [hbm4b:s3+s17], $0x80, v3, vm0, $0xb8;
	[tilespmem:$0x19800] =	vst v63  }
0x92: {  	v3 =	vld [tilespmem:$0x90];
	_ =	sdelay $0x4  }
0x93: {  	v49 =	vshll.u32 v3, $0x1  }
0x94: {  	v3 =	vand.u32 $0x7, v3;
	v4 =	vand.u32 $0xFFFFFFF0, v49  }
0x95: {  	v3 =	vor.u32 v3, v4  }
0x96: {  	v4 =	vperm.xlane v3, v0;
	_ =	sdelay $0x1  }
0x97: {  	v3 =	vperm.xlane v3, v2;
	v4 =	vadd.s32 v1, v4;
	_ =	sdelay $0x1  }
0x98: {  	v3 =	vadd.s32 v1, v3;
	_ =	sdelay $0x1  }
0x99: {  	s19 =	simm.s32 $0xA800  }
0x9a: {  	[tilespmem:s19], [sflag:$0x2] =	stream.indirect_vreg.gather [hbm4b:s3+s17], $0x80, v4, vm0, $0xb8;
	[tilespmem:$0x19800] =	vst v63  }
0x9b: {  	s20 =	simm.s32 $0xB000  }
0x9c: {  	[tilespmem:s20], [sflag:$0x2] =	stream.indirect_vreg.gather [hbm4b:s3+s17], $0x80, v3, vm0, $0xb8;
	[tilespmem:$0x19800] =	vst v63  }
0x9d: {  	v3 =	vld [tilespmem:$0xA0];
	_ =	sdelay $0x4  }
0x9e: {  	v50 =	vshll.u32 v3, $0x1  }
0x9f: {  	v3 =	vand.u32 $0x7, v3;
	v4 =	vand.u32 $0xFFFFFFF0, v50  }
0xa0: {  	v3 =	vor.u32 v3, v4  }
0xa1: {  	v4 =	vperm.xlane v3, v0;
	_ =	sdelay $0x1  }
0xa2: {  	v3 =	vperm.xlane v3, v2;
	v4 =	vadd.s32 v1, v4;
	_ =	sdelay $0x1  }
0xa3: {  	v3 =	vadd.s32 v1, v3;
	_ =	sdelay $0x1  }
0xa4: {  	s19 =	simm.s32 $0xB800  }
0xa5: {  	[tilespmem:s19], [sflag:$0x2] =	stream.indirect_vreg.gather [hbm4b:s3+s17], $0x80, v4, vm0, $0xb8;
	[tilespmem:$0x19800] =	vst v63  }
0xa6: {  	s20 =	simm.s32 $0xC000  }
0xa7: {  	[tilespmem:s20], [sflag:$0x2] =	stream.indirect_vreg.gather [hbm4b:s3+s17], $0x80, v3, vm0, $0xb8;
	[tilespmem:$0x19800] =	vst v63  }
0xa8: {  	v3 =	vld [tilespmem:$0xB0];
	_ =	sdelay $0x4  }
0xa9: {  	v51 =	vshll.u32 v3, $0x1  }
0xaa: {  	v3 =	vand.u32 $0x7, v3;
	v4 =	vand.u32 $0xFFFFFFF0, v51  }
0xab: {  	v3 =	vor.u32 v3, v4  }
0xac: {  	v4 =	vperm.xlane v3, v0;
	_ =	sdelay $0x1  }
0xad: {  	v3 =	vperm.xlane v3, v2;
	v4 =	vadd.s32 v1, v4;
	_ =	sdelay $0x1  }
0xae: {  	v3 =	vadd.s32 v1, v3;
	_ =	sdelay $0x1  }
0xaf: {  	s19 =	simm.s32 $0xC800  }
0xb0: {  	[tilespmem:s19], [sflag:$0x2] =	stream.indirect_vreg.gather [hbm4b:s3+s17], $0x80, v4, vm0, $0xb8;
	[tilespmem:$0x19800] =	vst v63  }
0xb1: {  	s20 =	simm.s32 $0xD000  }
0xb2: {  	[tilespmem:s20], [sflag:$0x2] =	stream.indirect_vreg.gather [hbm4b:s3+s17], $0x80, v3, vm0, $0xb8;
	[tilespmem:$0x19800] =	vst v63  }
0xb3: {  	v3 =	vld [tilespmem:$0xC0];
	_ =	sdelay $0x4  }
0xb4: {  	v52 =	vshll.u32 v3, $0x1  }
0xb5: {  	v3 =	vand.u32 $0x7, v3;
	v4 =	vand.u32 $0xFFFFFFF0, v52  }
0xb6: {  	v3 =	vor.u32 v3, v4  }
0xb7: {  	v4 =	vperm.xlane v3, v0;
	_ =	sdelay $0x1  }
0xb8: {  	v3 =	vperm.xlane v3, v2;
	v4 =	vadd.s32 v1, v4;
	_ =	sdelay $0x1  }
0xb9: {  	v3 =	vadd.s32 v1, v3;
	_ =	sdelay $0x2  }
0xba: {  	[tilespmem:s9], [sflag:$0x3] =	stream.indirect_vreg.gather [hbm4b:s3+s17], $0x80, v4, vm0, $0xb8;
	[tilespmem:$0x19800] =	vst v63  }
0xbb: {  	s19 =	simm.s32 $0xE000  }
0xbc: {  	[tilespmem:s19], [sflag:$0x3] =	stream.indirect_vreg.gather [hbm4b:s3+s17], $0x80, v3, vm0, $0xb8;
	[tilespmem:$0x19800] =	vst v63  }
0xbd: {  	v3 =	vld [tilespmem:$0xD0];
	_ =	sdelay $0x4  }
0xbe: {  	v53 =	vshll.u32 v3, $0x1  }
0xbf: {  	v3 =	vand.u32 $0x7, v3;
	v4 =	vand.u32 $0xFFFFFFF0, v53  }
0xc0: {  	v3 =	vor.u32 v3, v4  }
0xc1: {  	v4 =	vperm.xlane v3, v0;
	_ =	sdelay $0x1  }
0xc2: {  	v3 =	vperm.xlane v3, v2;
	v4 =	vadd.s32 v1, v4;
	_ =	sdelay $0x1  }
0xc3: {  	v3 =	vadd.s32 v1, v3;
	_ =	sdelay $0x1  }
0xc4: {  	s20 =	simm.s32 $0xE800  }
0xc5: {  	[tilespmem:s20], [sflag:$0x3] =	stream.indirect_vreg.gather [hbm4b:s3+s17], $0x80, v4, vm0, $0xb8;
	[tilespmem:$0x19800] =	vst v63  }
0xc6: {  	s19 =	simm.s32 $0xF000  }
0xc7: {  	[tilespmem:s19], [sflag:$0x3] =	stream.indirect_vreg.gather [hbm4b:s3+s17], $0x80, v3, vm0, $0xb8;
	[tilespmem:$0x19800] =	vst v63  }
0xc8: {  	v3 =	vld [tilespmem:$0xE0];
	_ =	sdelay $0x4  }
0xc9: {  	v54 =	vshll.u32 v3, $0x1  }
0xca: {  	v3 =	vand.u32 $0x7, v3;
	v4 =	vand.u32 $0xFFFFFFF0, v54  }
0xcb: {  	v3 =	vor.u32 v3, v4  }
0xcc: {  	v4 =	vperm.xlane v3, v0;
	_ =	sdelay $0x1  }
0xcd: {  	v3 =	vperm.xlane v3, v2;
	v4 =	vadd.s32 v1, v4;
	_ =	sdelay $0x1  }
0xce: {  	v3 =	vadd.s32 v1, v3;
	_ =	sdelay $0x1  }
0xcf: {  	s20 =	simm.s32 $0xF800  }
0xd0: {  	[tilespmem:s20], [sflag:$0x3] =	stream.indirect_vreg.gather [hbm4b:s3+s17], $0x80, v4, vm0, $0xb8;
	[tilespmem:$0x19800] =	vst v63  }
0xd1: {  	s19 =	simm.s32 $0x10000  }
0xd2: {  	[tilespmem:s19], [sflag:$0x3] =	stream.indirect_vreg.gather [hbm4b:s3+s17], $0x80, v3, vm0, $0xb8;
	[tilespmem:$0x19800] =	vst v63  }
0xd3: {  	v3 =	vld [tilespmem:$0xF0];
	_ =	sdelay $0x4  }
0xd4: {  	v55 =	vshll.u32 v3, $0x1  }
0xd5: {  	v3 =	vand.u32 $0x7, v3;
	v4 =	vand.u32 $0xFFFFFFF0, v55  }
0xd6: {  	v3 =	vor.u32 v3, v4  }
0xd7: {  	v4 =	vperm.xlane v3, v0;
	_ =	sdelay $0x1  }
0xd8: {  	v3 =	vperm.xlane v3, v2;
	v4 =	vadd.s32 v1, v4;
	_ =	sdelay $0x1  }
0xd9: {  	v3 =	vadd.s32 v1, v3;
	_ =	sdelay $0x1  }
0xda: {  	s20 =	simm.s32 $0x10800  }
0xdb: {  	[tilespmem:s20], [sflag:$0x3] =	stream.indirect_vreg.gather [hbm4b:s3+s17], $0x80, v4, vm0, $0xb8;
	[tilespmem:$0x19800] =	vst v63  }
0xdc: {  	s19 =	simm.s32 $0x11000  }
0xdd: {  	[tilespmem:s19], [sflag:$0x3] =	stream.indirect_vreg.gather [hbm4b:s3+s17], $0x80, v3, vm0, $0xb8;
	[tilespmem:$0x19800] =	vst v63  }
0xde: {  	v3 =	vld [tilespmem:$0x100];
	_ =	sdelay $0x4  }
0xdf: {  	v56 =	vshll.u32 v3, $0x1  }
0xe0: {  	v3 =	vand.u32 $0x7, v3;
	v4 =	vand.u32 $0xFFFFFFF0, v56  }
0xe1: {  	v3 =	vor.u32 v3, v4  }
0xe2: {  	v4 =	vperm.xlane v3, v0;
	_ =	sdelay $0x1  }
0xe3: {  	v3 =	vperm.xlane v3, v2;
	v4 =	vadd.s32 v1, v4;
	_ =	sdelay $0x1  }
0xe4: {  	v3 =	vadd.s32 v1, v3;
	_ =	sdelay $0x1  }
0xe5: {  	s20 =	simm.s32 $0x11800  }
0xe6: {  	[tilespmem:s20], [sflag:$0x3] =	stream.indirect_vreg.gather [hbm4b:s3+s17], $0x80, v4, vm0, $0xb8;
	[tilespmem:$0x19800] =	vst v63  }
0xe7: {  	s19 =	simm.s32 $0x12000  }
0xe8: {  	[tilespmem:s19], [sflag:$0x3] =	stream.indirect_vreg.gather [hbm4b:s3+s17], $0x80, v3, vm0, $0xb8;
	[tilespmem:$0x19800] =	vst v63  }
0xe9: {  	v3 =	vld [tilespmem:$0x110];
	_ =	sdelay $0x4  }
0xea: {  	v57 =	vshll.u32 v3, $0x1  }
0xeb: {  	v3 =	vand.u32 $0x7, v3;
	v4 =	vand.u32 $0xFFFFFFF0, v57  }
0xec: {  	v3 =	vor.u32 v3, v4  }
0xed: {  	v4 =	vperm.xlane v3, v0;
	_ =	sdelay $0x1  }
0xee: {  	v3 =	vperm.xlane v3, v2;
	v4 =	vadd.s32 v1, v4;
	_ =	sdelay $0x1  }
0xef: {  	v3 =	vadd.s32 v1, v3;
	_ =	sdelay $0x1  }
0xf0: {  	s20 =	simm.s32 $0x12800  }
0xf1: {  	[tilespmem:s20], [sflag:$0x3] =	stream.indirect_vreg.gather [hbm4b:s3+s17], $0x80, v4, vm0, $0xb8;
	[tilespmem:$0x19800] =	vst v63  }
0xf2: {  	_ = 	snop  }
0xf3: {  	[tilespmem:s21], [sflag:$0x3] =	stream.indirect_vreg.gather [hbm4b:s3+s17], $0x80, v3, vm0, $0xb8;
	[tilespmem:$0x19800] =	vst v63  }
0xf4: {  	v3 =	vld [tilespmem:$0x120];
	_ =	sdelay $0x4  }
0xf5: {  	v58 =	vshll.u32 v3, $0x1  }
0xf6: {  	v3 =	vand.u32 $0x7, v3;
	v4 =	vand.u32 $0xFFFFFFF0, v58  }
0xf7: {  	v3 =	vor.u32 v3, v4  }
0xf8: {  	v4 =	vperm.xlane v3, v0;
	_ =	sdelay $0x1  }
0xf9: {  	v3 =	vperm.xlane v3, v2;
	v4 =	vadd.s32 v1, v4;
	_ =	sdelay $0x1  }
0xfa: {  	v3 =	vadd.s32 v1, v3;
	_ =	sdelay $0x2  }
0xfb: {  	[tilespmem:s22], [sflag:$0x4] =	stream.indirect_vreg.gather [hbm4b:s3+s17], $0x80, v4, vm0, $0xb8;
	[tilespmem:$0x19800] =	vst v63  }
0xfc: {  	_ = 	snop  }
0xfd: {  	[tilespmem:s23], [sflag:$0x4] =	stream.indirect_vreg.gather [hbm4b:s3+s17], $0x80, v3, vm0, $0xb8;
	[tilespmem:$0x19800] =	vst v63  }
0xfe: {  	v3 =	vld [tilespmem:$0x130];
	_ =	sdelay $0x4  }
0xff: {  	v59 =	vshll.u32 v3, $0x1  }
0x100: {  	v3 =	vand.u32 $0x7, v3;
	v4 =	vand.u32 $0xFFFFFFF0, v59  }
0x101: {  	v3 =	vor.u32 v3, v4  }
0x102: {  	v4 =	vperm.xlane v3, v0;
	_ =	sdelay $0x1  }
0x103: {  	v3 =	vperm.xlane v3, v2;
	v4 =	vadd.s32 v1, v4;
	_ =	sdelay $0x1  }
0x104: {  	v3 =	vadd.s32 v1, v3;
	_ =	sdelay $0x2  }
0x105: {  	[tilespmem:s24], [sflag:$0x4] =	stream.indirect_vreg.gather [hbm4b:s3+s17], $0x80, v4, vm0, $0xb8;
	[tilespmem:$0x19800] =	vst v63  }
0x106: {  	_ = 	snop  }
0x107: {  	[tilespmem:s26], [sflag:$0x4] =	stream.indirect_vreg.gather [hbm4b:s3+s17], $0x80, v3, vm0, $0xb8;
	[tilespmem:$0x19800] =	vst v63  }
0x108: {  	v3 =	vld [tilespmem:$0x140];
	_ =	sdelay $0x4  }
0x109: {  	v60 =	vshll.u32 v3, $0x1  }
0x10a: {  	v3 =	vand.u32 $0x7, v3;
	v4 =	vand.u32 $0xFFFFFFF0, v60  }
0x10b: {  	v3 =	vor.u32 v3, v4  }
0x10c: {  	v4 =	vperm.xlane v3, v0;
	_ =	sdelay $0x1  }
0x10d: {  	v3 =	vperm.xlane v3, v2;
	v4 =	vadd.s32 v1, v4;
	_ =	sdelay $0x1  }
0x10e: {  	v3 =	vadd.s32 v1, v3;
	_ =	sdelay $0x2  }
0x10f: {  	[tilespmem:s28], [sflag:$0x4] =	stream.indirect_vreg.gather [hbm4b:s3+s17], $0x80, v4, vm0, $0xb8;
	[tilespmem:$0x19800] =	vst v63  }
0x110: {  	_ = 	snop  }
0x111: {  	[tilespmem:s29], [sflag:$0x4] =	stream.indirect_vreg.gather [hbm4b:s3+s17], $0x80, v3, vm0, $0xb8;
	[tilespmem:$0x19800] =	vst v63  }
0x112: {  	v3 =	vld [tilespmem:$0x150];
	_ =	sdelay $0x4  }
0x113: {  	v61 =	vshll.u32 v3, $0x1  }
0x114: {  	v3 =	vand.u32 $0x7, v3;
	v4 =	vand.u32 $0xFFFFFFF0, v61  }
0x115: {  	v3 =	vor.u32 v3, v4  }
0x116: {  	v4 =	vperm.xlane v3, v0;
	_ =	sdelay $0x1  }
0x117: {  	v3 =	vperm.xlane v3, v2;
	v4 =	vadd.s32 v1, v4;
	_ =	sdelay $0x1  }
0x118: {  	v3 =	vadd.s32 v1, v3;
	_ =	sdelay $0x2  }
0x119: {  	[tilespmem:s30], [sflag:$0x4] =	stream.indirect_vreg.gather [hbm4b:s3+s17], $0x80, v4, vm0, $0xb8;
	[tilespmem:$0x19800] =	vst v63  }
0x11a: {  	_ = 	snop  }
0x11b: {  	[tilespmem:s31], [sflag:$0x4] =	stream.indirect_vreg.gather [hbm4b:s3+s17], $0x80, v3, vm0, $0xb8;
	[tilespmem:$0x19800] =	vst v63  }
0x11c: {  	v3 =	vld [tilespmem:$0x160];
	_ =	sdelay $0x4  }
0x11d: {  	v62 =	vshll.u32 v3, $0x1  }
0x11e: {  	v3 =	vand.u32 $0x7, v3;
	v4 =	vand.u32 $0xFFFFFFF0, v62  }
0x11f: {  	v3 =	vor.u32 v3, v4  }
0x120: {  	v4 =	vperm.xlane v3, v0;
	_ =	sdelay $0x1  }
0x121: {  	v3 =	vperm.xlane v3, v2;
	v4 =	vadd.s32 v1, v4;
	_ =	sdelay $0x1  }
0x122: {  	v3 =	vadd.s32 v1, v3;
	_ =	sdelay $0x2  }
0x123: {  	[tilespmem:s1], [sflag:$0x4] =	stream.indirect_vreg.gather [hbm4b:s3+s17], $0x80, v4, vm0, $0xb8;
	[tilespmem:$0x19800] =	vst v63  }
0x124: {  	_ = 	snop  }
0x125: {  	[tilespmem:s0], [sflag:$0x4] =	stream.indirect_vreg.gather [hbm4b:s3+s17], $0x80, v3, vm0, $0xb8;
	[tilespmem:$0x19800] =	vst v63  }
0x126: {  	v3 =	vld [tilespmem:$0x170];
	_ =	sdelay $0x4  }
0x127: {  	v63 =	vshll.u32 v3, $0x1  }
0x128: {  	v3 =	vand.u32 $0x7, v3;
	v4 =	vand.u32 $0xFFFFFFF0, v63  }
0x129: {  	v3 =	vor.u32 v3, v4  }
0x12a: {  	v4 =	vperm.xlane v3, v0;
	_ =	sdelay $0x1  }
0x12b: {  	v3 =	vperm.xlane v3, v2;
	v4 =	vadd.s32 v1, v4;
	_ =	sdelay $0x1  }
0x12c: {  	v3 =	vadd.s32 v1, v3;
	_ =	sdelay $0x2  }
0x12d: {  	[tilespmem:s5], [sflag:$0x4] =	stream.indirect_vreg.gather [hbm4b:s3+s17], $0x80, v4, vm0, $0xb8;
	[tilespmem:$0x19800] =	vst v63  }
0x12e: {  	s18 =	simm.s32 $0x2F0  }
0x12f: {  	[tilespmem:s6], [sflag:$0x4] =	stream.indirect_vreg.gather [hbm4b:s3+s17], $0x80, v3, vm0, $0xb8;
	[tilespmem:$0x19800] =	vst v63  }
.LBB2_4:
0x130: {  	_ =	swait.ge [sflag:s7], $0x6000  }
0x131: {  	s19 =	rddreg [dreg:$0x3];
	[sflag:s7] =	ssyncset.done $0x0  }
0x132: {  	[sflag:s7] =	ssyncadd.s32 $0xFFFFA000;
	s19 =	sadd.s32 s17, s19  }
0x133: {  	[hbm4b:s19+s2] =	stream.linear.scatter [tilespmem:s13], [sflag:$0x5], $0x6000, $0x38;
	[tilespmem:$0x19800] =	vst v63  }
0x134: {  	_ =	swait.ge [sflag:s8], $0x6000  }
0x135: {  	[sflag:s8] =	ssyncset.done $0x0  }
0x136: {  	s20 =	sadd.s32 $0xC00, s19;
	[sflag:s8] =	ssyncadd.s32 $0xFFFFA000  }
0x137: {  	[hbm4b:s20+s2] =	stream.linear.scatter [tilespmem:s25], [sflag:$0x6], $0x6000, $0x38;
	[tilespmem:$0x19800] =	vst v63  }
0x138: {  	_ =	swait.ge [sflag:s10], $0x6000  }
0x139: {  	[sflag:s10] =	ssyncset.done $0x0  }
0x13a: {  	s20 =	sadd.s32 $0x1800, s19;
	[sflag:s10] =	ssyncadd.s32 $0xFFFFA000  }
0x13b: {  	[hbm4b:s20+s2] =	stream.linear.scatter [tilespmem:s9], [sflag:$0x7], $0x6000, $0x38;
	[tilespmem:$0x19800] =	vst v63  }
0x13c: {  	_ =	swait.ge [sflag:s12], $0x6000  }
0x13d: {  	[sflag:s12] =	ssyncset.done $0x0  }
0x13e: {  	s19 =	sadd.s32 $0x2400, s19;
	[sflag:s12] =	ssyncadd.s32 $0xFFFFA000  }
0x13f: {  	[hbm4b:s19+s2] =	stream.linear.scatter [tilespmem:s22], [sflag:$0x8], $0x6000, $0x38;
	[tilespmem:$0x19800] =	vst v63  }
0x140: {  	_ =	swait.ge [sflag:s11], $0x6000  }
0x141: {  	[sflag:s11] =	ssyncset.done $0x0  }
0x142: {  	[sflag:s11] =	ssyncadd.s32 $0xFFFFA000  }
0x143: {  	v3 =	vld [tilespmem:s18+$0xFFFFFE90];
	_ =	sdelay $0x4  }
0x144: {  	v4 =	vshll.u32 v3, $0x1  }
0x145: {  	v3 =	vand.u32 $0x7, v3;
	v4 =	vand.u32 $0xFFFFFFF0, v4  }
0x146: {  	v3 =	vor.u32 v3, v4  }
0x147: {  	v4 =	vperm.xlane v3, v0;
	_ =	sdelay $0x1  }
0x148: {  	v3 =	vperm.xlane v3, v2;
	v4 =	vadd.s32 v1, v4;
	_ =	sdelay $0x1  }
0x149: {  	v3 =	vadd.s32 v1, v3;
	_ =	sdelay $0x2  }
0x14a: {  	[tilespmem:s13], [sflag:$0x1] =	stream.indirect_vreg.gather [hbm4b:s3+s2], $0x80, v4, vm0, $0xb8;
	[tilespmem:$0x19800] =	vst v63  }
0x14b: {  	s20 =	simm.s32 $0x2000  }
0x14c: {  	[tilespmem:s20], [sflag:$0x1] =	stream.indirect_vreg.gather [hbm4b:s3+s2], $0x80, v3, vm0, $0xb8;
	[tilespmem:$0x19800] =	vst v63  }
0x14d: {  	v3 =	vld [tilespmem:s18+$0xFFFFFEA0];
	_ =	sdelay $0x4  }
0x14e: {  	v41 =	vshll.u32 v3, $0x1  }
0x14f: {  	v3 =	vand.u32 $0x7, v3;
	v4 =	vand.u32 $0xFFFFFFF0, v41  }
0x150: {  	v3 =	vor.u32 v3, v4  }
0x151: {  	v4 =	vperm.xlane v3, v0;
	_ =	sdelay $0x1  }
0x152: {  	v3 =	vperm.xlane v3, v2;
	v4 =	vadd.s32 v1, v4;
	_ =	sdelay $0x1  }
0x153: {  	v3 =	vadd.s32 v1, v3;
	_ =	sdelay $0x1  }
0x154: {  	s20 =	simm.s32 $0x2800  }
0x155: {  	[tilespmem:s20], [sflag:$0x1] =	stream.indirect_vreg.gather [hbm4b:s3+s2], $0x80, v4, vm0, $0xb8;
	[tilespmem:$0x19800] =	vst v63  }
0x156: {  	s20 =	simm.s32 $0x3000  }
0x157: {  	[tilespmem:s20], [sflag:$0x1] =	stream.indirect_vreg.gather [hbm4b:s3+s2], $0x80, v3, vm0, $0xb8;
	[tilespmem:$0x19800] =	vst v63  }
0x158: {  	v3 =	vld [tilespmem:s18+$0xFFFFFEB0];
	_ =	sdelay $0x4  }
0x159: {  	v42 =	vshll.u32 v3, $0x1  }
0x15a: {  	v3 =	vand.u32 $0x7, v3;
	v4 =	vand.u32 $0xFFFFFFF0, v42  }
0x15b: {  	v3 =	vor.u32 v3, v4  }
0x15c: {  	v4 =	vperm.xlane v3, v0;
	_ =	sdelay $0x1  }
0x15d: {  	v3 =	vperm.xlane v3, v2;
	v4 =	vadd.s32 v1, v4;
	_ =	sdelay $0x1  }
0x15e: {  	v3 =	vadd.s32 v1, v3;
	_ =	sdelay $0x1  }
0x15f: {  	s20 =	simm.s32 $0x3800  }
0x160: {  	[tilespmem:s20], [sflag:$0x1] =	stream.indirect_vreg.gather [hbm4b:s3+s2], $0x80, v4, vm0, $0xb8;
	[tilespmem:$0x19800] =	vst v63  }
0x161: {  	s20 =	simm.s32 $0x4000  }
0x162: {  	[tilespmem:s20], [sflag:$0x1] =	stream.indirect_vreg.gather [hbm4b:s3+s2], $0x80, v3, vm0, $0xb8;
	[tilespmem:$0x19800] =	vst v63  }
0x163: {  	v3 =	vld [tilespmem:s18+$0xFFFFFEC0];
	_ =	sdelay $0x4  }
0x164: {  	v43 =	vshll.u32 v3, $0x1  }
0x165: {  	v3 =	vand.u32 $0x7, v3;
	v4 =	vand.u32 $0xFFFFFFF0, v43  }
0x166: {  	v3 =	vor.u32 v3, v4  }
0x167: {  	v4 =	vperm.xlane v3, v0;
	_ =	sdelay $0x1  }
0x168: {  	v3 =	vperm.xlane v3, v2;
	v4 =	vadd.s32 v1, v4;
	_ =	sdelay $0x1  }
0x169: {  	v3 =	vadd.s32 v1, v3;
	_ =	sdelay $0x1  }
0x16a: {  	s20 =	simm.s32 $0x4800  }
0x16b: {  	[tilespmem:s20], [sflag:$0x1] =	stream.indirect_vreg.gather [hbm4b:s3+s2], $0x80, v4, vm0, $0xb8;
	[tilespmem:$0x19800] =	vst v63  }
0x16c: {  	s20 =	simm.s32 $0x5000  }
0x16d: {  	[tilespmem:s20], [sflag:$0x1] =	stream.indirect_vreg.gather [hbm4b:s3+s2], $0x80, v3, vm0, $0xb8;
	[tilespmem:$0x19800] =	vst v63  }
0x16e: {  	v3 =	vld [tilespmem:s18+$0xFFFFFED0];
	_ =	sdelay $0x4  }
0x16f: {  	v44 =	vshll.u32 v3, $0x1  }
0x170: {  	v3 =	vand.u32 $0x7, v3;
	v4 =	vand.u32 $0xFFFFFFF0, v44  }
0x171: {  	v3 =	vor.u32 v3, v4  }
0x172: {  	v4 =	vperm.xlane v3, v0;
	_ =	sdelay $0x1  }
0x173: {  	v3 =	vperm.xlane v3, v2;
	v4 =	vadd.s32 v1, v4;
	_ =	sdelay $0x1  }
0x174: {  	v3 =	vadd.s32 v1, v3;
	_ =	sdelay $0x1  }
0x175: {  	s20 =	simm.s32 $0x5800  }
0x176: {  	[tilespmem:s20], [sflag:$0x1] =	stream.indirect_vreg.gather [hbm4b:s3+s2], $0x80, v4, vm0, $0xb8;
	[tilespmem:$0x19800] =	vst v63  }
0x177: {  	s20 =	simm.s32 $0x6000  }
0x178: {  	[tilespmem:s20], [sflag:$0x1] =	stream.indirect_vreg.gather [hbm4b:s3+s2], $0x80, v3, vm0, $0xb8;
	[tilespmem:$0x19800] =	vst v63  }
0x179: {  	v3 =	vld [tilespmem:s18+$0xFFFFFEE0];
	_ =	sdelay $0x4  }
0x17a: {  	v45 =	vshll.u32 v3, $0x1  }
0x17b: {  	v3 =	vand.u32 $0x7, v3;
	v4 =	vand.u32 $0xFFFFFFF0, v45  }
0x17c: {  	v3 =	vor.u32 v3, v4  }
0x17d: {  	v4 =	vperm.xlane v3, v0;
	_ =	sdelay $0x1  }
0x17e: {  	v3 =	vperm.xlane v3, v2;
	v4 =	vadd.s32 v1, v4;
	_ =	sdelay $0x1  }
0x17f: {  	v3 =	vadd.s32 v1, v3;
	_ =	sdelay $0x1  }
0x180: {  	s20 =	simm.s32 $0x6800  }
0x181: {  	[tilespmem:s20], [sflag:$0x1] =	stream.indirect_vreg.gather [hbm4b:s3+s2], $0x80, v4, vm0, $0xb8;
	[tilespmem:$0x19800] =	vst v63  }
0x182: {  	s20 =	simm.s32 $0x7000  }
0x183: {  	[tilespmem:s20], [sflag:$0x1] =	stream.indirect_vreg.gather [hbm4b:s3+s2], $0x80, v3, vm0, $0xb8;
	[tilespmem:$0x19800] =	vst v63  }
0x184: {  	_ =	swait.ge [sflag:s14], $0x6000  }
0x185: {  	[sflag:s14] =	ssyncset.done $0x0  }
0x186: {  	[sflag:s14] =	ssyncadd.s32 $0xFFFFA000  }
0x187: {  	v3 =	vld [tilespmem:s18+$0xFFFFFEF0];
	_ =	sdelay $0x4  }
0x188: {  	v46 =	vshll.u32 v3, $0x1  }
0x189: {  	v3 =	vand.u32 $0x7, v3;
	v4 =	vand.u32 $0xFFFFFFF0, v46  }
0x18a: {  	v3 =	vor.u32 v3, v4  }
0x18b: {  	v4 =	vperm.xlane v3, v0;
	_ =	sdelay $0x1  }
0x18c: {  	v3 =	vperm.xlane v3, v2;
	v4 =	vadd.s32 v1, v4;
	_ =	sdelay $0x1  }
0x18d: {  	v3 =	vadd.s32 v1, v3;
	_ =	sdelay $0x2  }
0x18e: {  	[tilespmem:s25], [sflag:$0x2] =	stream.indirect_vreg.gather [hbm4b:s3+s2], $0x80, v4, vm0, $0xb8;
	[tilespmem:$0x19800] =	vst v63  }
0x18f: {  	s20 =	simm.s32 $0x8000  }
0x190: {  	[tilespmem:s20], [sflag:$0x2] =	stream.indirect_vreg.gather [hbm4b:s3+s2], $0x80, v3, vm0, $0xb8;
	[tilespmem:$0x19800] =	vst v63  }
0x191: {  	v3 =	vld [tilespmem:s18+$0xFFFFFF00];
	_ =	sdelay $0x4  }
0x192: {  	v47 =	vshll.u32 v3, $0x1  }
0x193: {  	v3 =	vand.u32 $0x7, v3;
	v4 =	vand.u32 $0xFFFFFFF0, v47  }
0x194: {  	v3 =	vor.u32 v3, v4  }
0x195: {  	v4 =	vperm.xlane v3, v0;
	_ =	sdelay $0x1  }
0x196: {  	v3 =	vperm.xlane v3, v2;
	v4 =	vadd.s32 v1, v4;
	_ =	sdelay $0x1  }
0x197: {  	v3 =	vadd.s32 v1, v3;
	_ =	sdelay $0x1  }
0x198: {  	s20 =	simm.s32 $0x8800  }
0x199: {  	[tilespmem:s20], [sflag:$0x2] =	stream.indirect_vreg.gather [hbm4b:s3+s2], $0x80, v4, vm0, $0xb8;
	[tilespmem:$0x19800] =	vst v63  }
0x19a: {  	s20 =	simm.s32 $0x9000  }
0x19b: {  	[tilespmem:s20], [sflag:$0x2] =	stream.indirect_vreg.gather [hbm4b:s3+s2], $0x80, v3, vm0, $0xb8;
	[tilespmem:$0x19800] =	vst v63  }
0x19c: {  	v3 =	vld [tilespmem:s18+$0xFFFFFF10];
	_ =	sdelay $0x4  }
0x19d: {  	v48 =	vshll.u32 v3, $0x1  }
0x19e: {  	v3 =	vand.u32 $0x7, v3;
	v4 =	vand.u32 $0xFFFFFFF0, v48  }
0x19f: {  	v3 =	vor.u32 v3, v4  }
0x1a0: {  	v4 =	vperm.xlane v3, v0;
	_ =	sdelay $0x1  }
0x1a1: {  	v3 =	vperm.xlane v3, v2;
	v4 =	vadd.s32 v1, v4;
	_ =	sdelay $0x1  }
0x1a2: {  	v3 =	vadd.s32 v1, v3;
	_ =	sdelay $0x1  }
0x1a3: {  	s20 =	simm.s32 $0x9800  }
0x1a4: {  	[tilespmem:s20], [sflag:$0x2] =	stream.indirect_vreg.gather [hbm4b:s3+s2], $0x80, v4, vm0, $0xb8;
	[tilespmem:$0x19800] =	vst v63  }
0x1a5: {  	s20 =	simm.s32 $0xA000  }
0x1a6: {  	[tilespmem:s20], [sflag:$0x2] =	stream.indirect_vreg.gather [hbm4b:s3+s2], $0x80, v3, vm0, $0xb8;
	[tilespmem:$0x19800] =	vst v63  }
0x1a7: {  	v3 =	vld [tilespmem:s18+$0xFFFFFF20];
	_ =	sdelay $0x4  }
0x1a8: {  	v49 =	vshll.u32 v3, $0x1  }
0x1a9: {  	v3 =	vand.u32 $0x7, v3;
	v4 =	vand.u32 $0xFFFFFFF0, v49  }
0x1aa: {  	v3 =	vor.u32 v3, v4  }
0x1ab: {  	v4 =	vperm.xlane v3, v0;
	_ =	sdelay $0x1  }
0x1ac: {  	v3 =	vperm.xlane v3, v2;
	v4 =	vadd.s32 v1, v4;
	_ =	sdelay $0x1  }
0x1ad: {  	v3 =	vadd.s32 v1, v3;
	_ =	sdelay $0x1  }
0x1ae: {  	s20 =	simm.s32 $0xA800  }
0x1af: {  	[tilespmem:s20], [sflag:$0x2] =	stream.indirect_vreg.gather [hbm4b:s3+s2], $0x80, v4, vm0, $0xb8;
	[tilespmem:$0x19800] =	vst v63  }
0x1b0: {  	s20 =	simm.s32 $0xB000  }
0x1b1: {  	[tilespmem:s20], [sflag:$0x2] =	stream.indirect_vreg.gather [hbm4b:s3+s2], $0x80, v3, vm0, $0xb8;
	[tilespmem:$0x19800] =	vst v63  }
0x1b2: {  	v3 =	vld [tilespmem:s18+$0xFFFFFF30];
	_ =	sdelay $0x4  }
0x1b3: {  	v50 =	vshll.u32 v3, $0x1  }
0x1b4: {  	v3 =	vand.u32 $0x7, v3;
	v4 =	vand.u32 $0xFFFFFFF0, v50  }
0x1b5: {  	v3 =	vor.u32 v3, v4  }
0x1b6: {  	v4 =	vperm.xlane v3, v0;
	_ =	sdelay $0x1  }
0x1b7: {  	v3 =	vperm.xlane v3, v2;
	v4 =	vadd.s32 v1, v4;
	_ =	sdelay $0x1  }
0x1b8: {  	v3 =	vadd.s32 v1, v3;
	_ =	sdelay $0x1  }
0x1b9: {  	s20 =	simm.s32 $0xB800  }
0x1ba: {  	[tilespmem:s20], [sflag:$0x2] =	stream.indirect_vreg.gather [hbm4b:s3+s2], $0x80, v4, vm0, $0xb8;
	[tilespmem:$0x19800] =	vst v63  }
0x1bb: {  	s20 =	simm.s32 $0xC000  }
0x1bc: {  	[tilespmem:s20], [sflag:$0x2] =	stream.indirect_vreg.gather [hbm4b:s3+s2], $0x80, v3, vm0, $0xb8;
	[tilespmem:$0x19800] =	vst v63  }
0x1bd: {  	v3 =	vld [tilespmem:s18+$0xFFFFFF40];
	_ =	sdelay $0x4  }
0x1be: {  	v51 =	vshll.u32 v3, $0x1  }
0x1bf: {  	v3 =	vand.u32 $0x7, v3;
	v4 =	vand.u32 $0xFFFFFFF0, v51  }
0x1c0: {  	v3 =	vor.u32 v3, v4  }
0x1c1: {  	v4 =	vperm.xlane v3, v0;
	_ =	sdelay $0x1  }
0x1c2: {  	v3 =	vperm.xlane v3, v2;
	v4 =	vadd.s32 v1, v4;
	_ =	sdelay $0x1  }
0x1c3: {  	v3 =	vadd.s32 v1, v3;
	_ =	sdelay $0x1  }
0x1c4: {  	s20 =	simm.s32 $0xC800  }
0x1c5: {  	[tilespmem:s20], [sflag:$0x2] =	stream.indirect_vreg.gather [hbm4b:s3+s2], $0x80, v4, vm0, $0xb8;
	[tilespmem:$0x19800] =	vst v63  }
0x1c6: {  	s20 =	simm.s32 $0xD000  }
0x1c7: {  	[tilespmem:s20], [sflag:$0x2] =	stream.indirect_vreg.gather [hbm4b:s3+s2], $0x80, v3, vm0, $0xb8;
	[tilespmem:$0x19800] =	vst v63  }
0x1c8: {  	_ =	swait.ge [sflag:s15], $0x6000  }
0x1c9: {  	[sflag:s15] =	ssyncset.done $0x0  }
0x1ca: {  	[sflag:s15] =	ssyncadd.s32 $0xFFFFA000  }
0x1cb: {  	v3 =	vld [tilespmem:s18+$0xFFFFFF50];
	_ =	sdelay $0x4  }
0x1cc: {  	v52 =	vshll.u32 v3, $0x1  }
0x1cd: {  	v3 =	vand.u32 $0x7, v3;
	v4 =	vand.u32 $0xFFFFFFF0, v52  }
0x1ce: {  	v3 =	vor.u32 v3, v4  }
0x1cf: {  	v4 =	vperm.xlane v3, v0;
	_ =	sdelay $0x1  }
0x1d0: {  	v3 =	vperm.xlane v3, v2;
	v4 =	vadd.s32 v1, v4;
	_ =	sdelay $0x1  }
0x1d1: {  	v3 =	vadd.s32 v1, v3;
	_ =	sdelay $0x2  }
0x1d2: {  	[tilespmem:s9], [sflag:$0x3] =	stream.indirect_vreg.gather [hbm4b:s3+s2], $0x80, v4, vm0, $0xb8;
	[tilespmem:$0x19800] =	vst v63  }
0x1d3: {  	s20 =	simm.s32 $0xE000  }
0x1d4: {  	[tilespmem:s20], [sflag:$0x3] =	stream.indirect_vreg.gather [hbm4b:s3+s2], $0x80, v3, vm0, $0xb8;
	[tilespmem:$0x19800] =	vst v63  }
0x1d5: {  	v3 =	vld [tilespmem:s18+$0xFFFFFF60];
	_ =	sdelay $0x4  }
0x1d6: {  	v53 =	vshll.u32 v3, $0x1  }
0x1d7: {  	v3 =	vand.u32 $0x7, v3;
	v4 =	vand.u32 $0xFFFFFFF0, v53  }
0x1d8: {  	v3 =	vor.u32 v3, v4  }
0x1d9: {  	v4 =	vperm.xlane v3, v0;
	_ =	sdelay $0x1  }
0x1da: {  	v3 =	vperm.xlane v3, v2;
	v4 =	vadd.s32 v1, v4;
	_ =	sdelay $0x1  }
0x1db: {  	v3 =	vadd.s32 v1, v3;
	_ =	sdelay $0x1  }
0x1dc: {  	s20 =	simm.s32 $0xE800  }
0x1dd: {  	[tilespmem:s20], [sflag:$0x3] =	stream.indirect_vreg.gather [hbm4b:s3+s2], $0x80, v4, vm0, $0xb8;
	[tilespmem:$0x19800] =	vst v63  }
0x1de: {  	s20 =	simm.s32 $0xF000  }
0x1df: {  	[tilespmem:s20], [sflag:$0x3] =	stream.indirect_vreg.gather [hbm4b:s3+s2], $0x80, v3, vm0, $0xb8;
	[tilespmem:$0x19800] =	vst v63  }
0x1e0: {  	v3 =	vld [tilespmem:s18+$0xFFFFFF70];
	_ =	sdelay $0x4  }
0x1e1: {  	v54 =	vshll.u32 v3, $0x1  }
0x1e2: {  	v3 =	vand.u32 $0x7, v3;
	v4 =	vand.u32 $0xFFFFFFF0, v54  }
0x1e3: {  	v3 =	vor.u32 v3, v4  }
0x1e4: {  	v4 =	vperm.xlane v3, v0;
	_ =	sdelay $0x1  }
0x1e5: {  	v3 =	vperm.xlane v3, v2;
	v4 =	vadd.s32 v1, v4;
	_ =	sdelay $0x1  }
0x1e6: {  	v3 =	vadd.s32 v1, v3;
	_ =	sdelay $0x1  }
0x1e7: {  	s20 =	simm.s32 $0xF800  }
0x1e8: {  	[tilespmem:s20], [sflag:$0x3] =	stream.indirect_vreg.gather [hbm4b:s3+s2], $0x80, v4, vm0, $0xb8;
	[tilespmem:$0x19800] =	vst v63  }
0x1e9: {  	s20 =	simm.s32 $0x10000  }
0x1ea: {  	[tilespmem:s20], [sflag:$0x3] =	stream.indirect_vreg.gather [hbm4b:s3+s2], $0x80, v3, vm0, $0xb8;
	[tilespmem:$0x19800] =	vst v63  }
0x1eb: {  	v3 =	vld [tilespmem:s18+$0xFFFFFF80];
	_ =	sdelay $0x4  }
0x1ec: {  	v55 =	vshll.u32 v3, $0x1  }
0x1ed: {  	v3 =	vand.u32 $0x7, v3;
	v4 =	vand.u32 $0xFFFFFFF0, v55  }
0x1ee: {  	v3 =	vor.u32 v3, v4  }
0x1ef: {  	v4 =	vperm.xlane v3, v0;
	_ =	sdelay $0x1  }
0x1f0: {  	v3 =	vperm.xlane v3, v2;
	v4 =	vadd.s32 v1, v4;
	_ =	sdelay $0x1  }
0x1f1: {  	v3 =	vadd.s32 v1, v3;
	_ =	sdelay $0x1  }
0x1f2: {  	s20 =	simm.s32 $0x10800  }
0x1f3: {  	[tilespmem:s20], [sflag:$0x3] =	stream.indirect_vreg.gather [hbm4b:s3+s2], $0x80, v4, vm0, $0xb8;
	[tilespmem:$0x19800] =	vst v63  }
0x1f4: {  	s20 =	simm.s32 $0x11000  }
0x1f5: {  	[tilespmem:s20], [sflag:$0x3] =	stream.indirect_vreg.gather [hbm4b:s3+s2], $0x80, v3, vm0, $0xb8;
	[tilespmem:$0x19800] =	vst v63  }
0x1f6: {  	v3 =	vld [tilespmem:s18+$0xFFFFFF90];
	_ =	sdelay $0x4  }
0x1f7: {  	v56 =	vshll.u32 v3, $0x1  }
0x1f8: {  	v3 =	vand.u32 $0x7, v3;
	v4 =	vand.u32 $0xFFFFFFF0, v56  }
0x1f9: {  	v3 =	vor.u32 v3, v4  }
0x1fa: {  	v4 =	vperm.xlane v3, v0;
	_ =	sdelay $0x1  }
0x1fb: {  	v3 =	vperm.xlane v3, v2;
	v4 =	vadd.s32 v1, v4;
	_ =	sdelay $0x1  }
0x1fc: {  	v3 =	vadd.s32 v1, v3;
	_ =	sdelay $0x1  }
0x1fd: {  	s20 =	simm.s32 $0x11800  }
0x1fe: {  	[tilespmem:s20], [sflag:$0x3] =	stream.indirect_vreg.gather [hbm4b:s3+s2], $0x80, v4, vm0, $0xb8;
	[tilespmem:$0x19800] =	vst v63  }
0x1ff: {  	s20 =	simm.s32 $0x12000  }
0x200: {  	[tilespmem:s20], [sflag:$0x3] =	stream.indirect_vreg.gather [hbm4b:s3+s2], $0x80, v3, vm0, $0xb8;
	[tilespmem:$0x19800] =	vst v63  }
0x201: {  	v3 =	vld [tilespmem:s18+$0xFFFFFFA0];
	_ =	sdelay $0x4  }
0x202: {  	v57 =	vshll.u32 v3, $0x1  }
0x203: {  	v3 =	vand.u32 $0x7, v3;
	v4 =	vand.u32 $0xFFFFFFF0, v57  }
0x204: {  	v3 =	vor.u32 v3, v4  }
0x205: {  	v4 =	vperm.xlane v3, v0;
	_ =	sdelay $0x1  }
0x206: {  	v3 =	vperm.xlane v3, v2;
	v4 =	vadd.s32 v1, v4;
	_ =	sdelay $0x1  }
0x207: {  	v3 =	vadd.s32 v1, v3;
	_ =	sdelay $0x1  }
0x208: {  	s20 =	simm.s32 $0x12800  }
0x209: {  	[tilespmem:s20], [sflag:$0x3] =	stream.indirect_vreg.gather [hbm4b:s3+s2], $0x80, v4, vm0, $0xb8;
	[tilespmem:$0x19800] =	vst v63  }
0x20a: {  	_ = 	snop  }
0x20b: {  	[tilespmem:s21], [sflag:$0x3] =	stream.indirect_vreg.gather [hbm4b:s3+s2], $0x80, v3, vm0, $0xb8;
	[tilespmem:$0x19800] =	vst v63  }
0x20c: {  	_ =	swait.ge [sflag:s16], $0x6000  }
0x20d: {  	[sflag:s16] =	ssyncset.done $0x0  }
0x20e: {  	[sflag:s16] =	ssyncadd.s32 $0xFFFFA000  }
0x20f: {  	v3 =	vld [tilespmem:s18+$0xFFFFFFB0];
	_ =	sdelay $0x4  }
0x210: {  	v58 =	vshll.u32 v3, $0x1  }
0x211: {  	v3 =	vand.u32 $0x7, v3;
	v4 =	vand.u32 $0xFFFFFFF0, v58  }
0x212: {  	v3 =	vor.u32 v3, v4  }
0x213: {  	v4 =	vperm.xlane v3, v0;
	_ =	sdelay $0x1  }
0x214: {  	v3 =	vperm.xlane v3, v2;
	v4 =	vadd.s32 v1, v4;
	_ =	sdelay $0x1  }
0x215: {  	v3 =	vadd.s32 v1, v3;
	_ =	sdelay $0x2  }
0x216: {  	[tilespmem:s22], [sflag:$0x4] =	stream.indirect_vreg.gather [hbm4b:s3+s2], $0x80, v4, vm0, $0xb8;
	[tilespmem:$0x19800] =	vst v63  }
0x217: {  	_ = 	snop  }
0x218: {  	[tilespmem:s23], [sflag:$0x4] =	stream.indirect_vreg.gather [hbm4b:s3+s2], $0x80, v3, vm0, $0xb8;
	[tilespmem:$0x19800] =	vst v63  }
0x219: {  	v3 =	vld [tilespmem:s18+$0xFFFFFFC0];
	_ =	sdelay $0x4  }
0x21a: {  	v59 =	vshll.u32 v3, $0x1  }
0x21b: {  	v3 =	vand.u32 $0x7, v3;
	v4 =	vand.u32 $0xFFFFFFF0, v59  }
0x21c: {  	v3 =	vor.u32 v3, v4  }
0x21d: {  	v4 =	vperm.xlane v3, v0;
	_ =	sdelay $0x1  }
0x21e: {  	v3 =	vperm.xlane v3, v2;
	v4 =	vadd.s32 v1, v4;
	_ =	sdelay $0x1  }
0x21f: {  	v3 =	vadd.s32 v1, v3;
	_ =	sdelay $0x2  }
0x220: {  	[tilespmem:s24], [sflag:$0x4] =	stream.indirect_vreg.gather [hbm4b:s3+s2], $0x80, v4, vm0, $0xb8;
	[tilespmem:$0x19800] =	vst v63  }
0x221: {  	_ = 	snop  }
0x222: {  	[tilespmem:s26], [sflag:$0x4] =	stream.indirect_vreg.gather [hbm4b:s3+s2], $0x80, v3, vm0, $0xb8;
	[tilespmem:$0x19800] =	vst v63  }
0x223: {  	v3 =	vld [tilespmem:s18+$0xFFFFFFD0];
	_ =	sdelay $0x4  }
0x224: {  	v60 =	vshll.u32 v3, $0x1  }
0x225: {  	v3 =	vand.u32 $0x7, v3;
	v4 =	vand.u32 $0xFFFFFFF0, v60  }
0x226: {  	v3 =	vor.u32 v3, v4  }
0x227: {  	v4 =	vperm.xlane v3, v0;
	_ =	sdelay $0x1  }
0x228: {  	v3 =	vperm.xlane v3, v2;
	v4 =	vadd.s32 v1, v4;
	_ =	sdelay $0x1  }
0x229: {  	v3 =	vadd.s32 v1, v3;
	_ =	sdelay $0x2  }
0x22a: {  	[tilespmem:s28], [sflag:$0x4] =	stream.indirect_vreg.gather [hbm4b:s3+s2], $0x80, v4, vm0, $0xb8;
	[tilespmem:$0x19800] =	vst v63  }
0x22b: {  	_ = 	snop  }
0x22c: {  	[tilespmem:s29], [sflag:$0x4] =	stream.indirect_vreg.gather [hbm4b:s3+s2], $0x80, v3, vm0, $0xb8;
	[tilespmem:$0x19800] =	vst v63  }
0x22d: {  	v3 =	vld [tilespmem:s18+$0xFFFFFFE0];
	_ =	sdelay $0x4  }
0x22e: {  	v61 =	vshll.u32 v3, $0x1  }
0x22f: {  	v3 =	vand.u32 $0x7, v3;
	v4 =	vand.u32 $0xFFFFFFF0, v61  }
0x230: {  	v3 =	vor.u32 v3, v4  }
0x231: {  	v4 =	vperm.xlane v3, v0;
	_ =	sdelay $0x1  }
0x232: {  	v3 =	vperm.xlane v3, v2;
	v4 =	vadd.s32 v1, v4;
	_ =	sdelay $0x1  }
0x233: {  	v3 =	vadd.s32 v1, v3;
	_ =	sdelay $0x2  }
0x234: {  	[tilespmem:s30], [sflag:$0x4] =	stream.indirect_vreg.gather [hbm4b:s3+s2], $0x80, v4, vm0, $0xb8;
	[tilespmem:$0x19800] =	vst v63  }
0x235: {  	_ = 	snop  }
0x236: {  	[tilespmem:s31], [sflag:$0x4] =	stream.indirect_vreg.gather [hbm4b:s3+s2], $0x80, v3, vm0, $0xb8;
	[tilespmem:$0x19800] =	vst v63  }
0x237: {  	v3 =	vld [tilespmem:s18+$0xFFFFFFF0];
	_ =	sdelay $0x4  }
0x238: {  	v62 =	vshll.u32 v3, $0x1  }
0x239: {  	v3 =	vand.u32 $0x7, v3;
	v4 =	vand.u32 $0xFFFFFFF0, v62  }
0x23a: {  	v3 =	vor.u32 v3, v4  }
0x23b: {  	v4 =	vperm.xlane v3, v0;
	_ =	sdelay $0x1  }
0x23c: {  	v3 =	vperm.xlane v3, v2;
	v4 =	vadd.s32 v1, v4;
	_ =	sdelay $0x1  }
0x23d: {  	v3 =	vadd.s32 v1, v3;
	_ =	sdelay $0x2  }
0x23e: {  	[tilespmem:s1], [sflag:$0x4] =	stream.indirect_vreg.gather [hbm4b:s3+s2], $0x80, v4, vm0, $0xb8;
	[tilespmem:$0x19800] =	vst v63  }
0x23f: {  	_ = 	snop  }
0x240: {  	[tilespmem:s0], [sflag:$0x4] =	stream.indirect_vreg.gather [hbm4b:s3+s2], $0x80, v3, vm0, $0xb8;
	[tilespmem:$0x19800] =	vst v63  }
0x241: {  	v3 =	vld [tilespmem:s18+$0x0];
	_ =	sdelay $0x4  }
0x242: {  	v63 =	vshll.u32 v3, $0x1  }
0x243: {  	v3 =	vand.u32 $0x7, v3;
	v4 =	vand.u32 $0xFFFFFFF0, v63  }
0x244: {  	v3 =	vor.u32 v3, v4  }
0x245: {  	v4 =	vperm.xlane v3, v0;
	_ =	sdelay $0x1  }
0x246: {  	v3 =	vperm.xlane v3, v2;
	v4 =	vadd.s32 v1, v4;
	_ =	sdelay $0x1  }
0x247: {  	p0 =	sne.s32 s17, $0x2A000;
	v3 =	vadd.s32 v1, v3  }
.Ltmp1:
0x248: {  	_ = 	snop;
	(pc) =	sbr.rel @p0 .LBB2_4-.Ltmp1, $4  }
0x249: {  	_ = 	snop  }
0x24a: {  	[tilespmem:s5], [sflag:$0x4] =	stream.indirect_vreg.gather [hbm4b:s3+s2], $0x80, v4, vm0, $0xb8;
	[tilespmem:$0x19800] =	vst v63  }
0x24b: {  	s17 =	sadd.s32 $0x3000, s17;
	s18 =	sadd.s32 $0x180, s18  }
0x24c: {  	[tilespmem:s6], [sflag:$0x4] =	stream.indirect_vreg.gather [hbm4b:s3+s2], $0x80, v3, vm0, $0xb8;
	[tilespmem:$0x19800] =	vst v63  }
0x24d: {  	_ =	swait.ge [sflag:s7], $0x6000  }
0x24e: {  	[sflag:s7] =	ssyncset.done $0x0  }
0x24f: {  	s17 =	rddreg [dreg:$0x5];
	[sflag:s7] =	ssyncadd.s32 $0xFFFFA000  }
0x250: {  	[hbm4b:s17+s2] =	stream.linear.scatter [tilespmem:s13], [sflag:$0x5], $0x6000, $0x38;
	[tilespmem:$0x19800] =	vst v63  }
0x251: {  	_ =	swait.ge [sflag:s8], $0x6000  }
0x252: {  	[sflag:s8] =	ssyncset.done $0x0  }
0x253: {  	s20 =	rddreg [dreg:$0x6];
	[sflag:s8] =	ssyncadd.s32 $0xFFFFA000  }
0x254: {  	[hbm4b:s20+s2] =	stream.linear.scatter [tilespmem:s25], [sflag:$0x6], $0x6000, $0x38;
	[tilespmem:$0x19800] =	vst v63  }
0x255: {  	_ =	swait.ge [sflag:s10], $0x6000  }
0x256: {  	[sflag:s10] =	ssyncset.done $0x0  }
0x257: {  	s18 =	rddreg [dreg:$0x7];
	[sflag:s10] =	ssyncadd.s32 $0xFFFFA000  }
0x258: {  	[hbm4b:s18+s2] =	stream.linear.scatter [tilespmem:s9], [sflag:$0x7], $0x6000, $0x38;
	[tilespmem:$0x19800] =	vst v63  }
0x259: {  	_ =	swait.ge [sflag:s12], $0x6000  }
0x25a: {  	[sflag:s12] =	ssyncset.done $0x0  }
0x25b: {  	s19 =	rddreg [dreg:$0x8];
	[sflag:s12] =	ssyncadd.s32 $0xFFFFA000  }
0x25c: {  	[hbm4b:s19+s2] =	stream.linear.scatter [tilespmem:s22], [sflag:$0x8], $0x6000, $0x38;
	[tilespmem:$0x19800] =	vst v63  }
0x25d: {  	_ =	swait.ge [sflag:s11], $0x6000  }
0x25e: {  	[sflag:s11] =	ssyncset.done $0x0  }
0x25f: {  	[sflag:s11] =	ssyncadd.s32 $0xFFFFA000  }
0x260: {  	_ =	swait.ge [sflag:s14], $0x6000  }
0x261: {  	[sflag:s14] =	ssyncset.done $0x0  }
0x262: {  	[sflag:s14] =	ssyncadd.s32 $0xFFFFA000  }
0x263: {  	_ =	swait.ge [sflag:s15], $0x6000  }
0x264: {  	[sflag:s15] =	ssyncset.done $0x0  }
0x265: {  	[sflag:s15] =	ssyncadd.s32 $0xFFFFA000  }
0x266: {  	_ =	swait.ge [sflag:s16], $0x6000  }
0x267: {  	s18 =	rddreg [dreg:$0xb]  }
0x268: {  	s20 =	rddreg [dreg:$0x9];
	s18 =	sadd.s32 $0x1, s18  }
0x269: {  	p0 =	sne.s32 s18, s20  }
.Ltmp2:
0x26a: {  	_ = 	snop;
	(pc) =	sbr.rel @p0 .LBB2_1-.Ltmp2, $3  }
0x26b: {  	_ =	sdelay $0x1  }
0x26c: {  	[sflag:s16] =	ssyncset.done $0x0  }
0x26d: {  	[sflag:s16] =	ssyncadd.s32 $0xFFFFA000  }
0x26e: {  	_ =	sfence.sel $0x180000  }
0x26f: {  	[bflag:$0x0] =	sbarrier.arrive $0xFFFF  }
0x270: {  	_ =	strace $0x90000047  }
0x271: {  	s0 =	stileid.u32;
	[bflag:$0x2] =	sbarrier.arrive $0xFFFF  }
0x272: {  	p0 =	sne.s32 s0, $0x0;
	s0 =	rddreg [dreg:$0x2]  }
0x273: {  	s0 =	sadd.s32 @!p0 $0x100000, s0  }
0x274: {  	[sflag:s0] =	ssyncadd.tile.s32 @!p0 $0x1;
	_ =	shalt  }
.Lfunc_end2:
_tile_overlayer_lowered:
.L_overlay_start_2:
0x275: {  	(tag) =	ssettag $0x2  }
0x276: {  	s0 =	rddreg [dreg:$0x0];
	s2 =	stileid.u32  }
0x277: {  	s1 =	rddreg [dreg:$0x1];
	p0 =	sne.s32 s2, $0x0  }
0x278: {  	s3 =	rddreg [dreg:$0x2];
	[bflag:$0x3] =	sbarrier.arrive $0xFFFF;
	s2 =	simm.s32 @!p0 $0x1C09  }
0x279: {  	[timem:s3], [sflag:s2] =	dma.local @!p0 [hbm:s0], s1  }
0x27a: {  	s0 =	simm.s32 @!p0 $0x9  }
0x27b: {  	_ =	swait.ge @!p0 [sflag:s0], s1  }
0x27c: {  	s1 =	ssub.s32 @!p0 $0x0, s1;
	[sflag:s0] =	ssyncset.done @!p0 $0x0  }
0x27d: {  	[sflag:s0] =	ssyncadd.s32 @!p0 s1  }
0x27e: {  	[bflag:$0x3] =	sbarrier.arrive $0xFFFF  }
0x27f: {  	_ =	shalt  }

</sc_bundles>
